<compile_context>
chip_gen: v7x
topology: tpu7x:2x2x1
jax: 0.10.2.dev20260603
libtpu: 0.0.44.dev20260713+nightly
codegen_flags: <defaults>
</compile_context>

<pallas_src>
import math

import jax
import jax.numpy as jnp
from jax.experimental import pallas as pl

_N, _A, _H, _W = 2, 3, 64, 64
_IMG_H, _IMG_W = 1024.0, 1024.0
_PRE = 2000
_PRE_PAD = 2048
_POST = 1000
_NMS_T = 0.7
_CLIP = float(math.log(1000.0 / 16.0))
_STRIDE = 16.0
_NEG = -1e10


def _nms_body(idx_ref, sc_ref, breg_ref, out_sc_ref, out_box_ref):
    idx = idx_ref[...]
    a = idx % _A
    pos = idx // _A
    w = pos % _W
    h = pos // _W
    cx = (w.astype(jnp.float32) + 0.5) * _STRIDE
    cy = (h.astype(jnp.float32) + 0.5) * _STRIDE
    half = jnp.where(a == 0, 64.0, jnp.where(a == 1, 128.0, 256.0))
    ax1 = cx - half
    ay1 = cy - half
    ax2 = cx + half
    ay2 = cy + half
    widths = ax2 - ax1 + 1.0
    heights = ay2 - ay1 + 1.0
    ctr_x = ax1 + 0.5 * widths
    ctr_y = ay1 + 0.5 * heights
    dx = breg_ref[:, 0]
    dy = breg_ref[:, 1]
    dw = jnp.minimum(breg_ref[:, 2], _CLIP)
    dh = jnp.minimum(breg_ref[:, 3], _CLIP)
    pred_ctr_x = dx * widths + ctr_x
    pred_ctr_y = dy * heights + ctr_y
    pred_w = jnp.exp(dw) * widths
    pred_h = jnp.exp(dh) * heights
    x1 = jnp.clip(pred_ctr_x - 0.5 * pred_w, 0.0, _IMG_W - 1.0)
    y1 = jnp.clip(pred_ctr_y - 0.5 * pred_h, 0.0, _IMG_H - 1.0)
    x2 = jnp.clip(pred_ctr_x + 0.5 * pred_w - 1.0, 0.0, _IMG_W - 1.0)
    y2 = jnp.clip(pred_ctr_y + 0.5 * pred_h - 1.0, 0.0, _IMG_H - 1.0)
    ws = x2 - x1 + 1.0
    hs = y2 - y1 + 1.0
    area = ws * hs

    eidx = (jax.lax.broadcasted_iota(jnp.int32, (_N, 16, 128), 1) * 128
            + jax.lax.broadcasted_iota(jnp.int32, (_N, 16, 128), 2))
    valid = (ws >= 0.0) & (hs >= 0.0) & (eidx < _PRE)

    out_box_ref[:, 0] = x1
    out_box_ref[:, 1] = y1
    out_box_ref[:, 2] = x2
    out_box_ref[:, 3] = y2

    lane = jax.lax.broadcasted_iota(jnp.int32, (1, 1, 1, 128), 3)

    def body(i, alive):
        r = i // 128
        c = i % 128
        zero = jnp.zeros((), jnp.float32)
        cb_row = out_box_ref[:, :, pl.ds(r, 1), :]
        lane_oh = lane == c
        cb = jnp.sum(jnp.where(lane_oh, cb_row, zero), axis=3,
                     keepdims=True)
        x1_i = cb[:, 0]
        y1_i = cb[:, 1]
        x2_i = cb[:, 2]
        y2_i = cb[:, 3]
        onehot = eidx == i
        alive_i = jnp.sum(jnp.where(onehot, alive, zero), axis=(1, 2),
                          keepdims=True)
        area_i = (x2_i - x1_i + 1.0) * (y2_i - y1_i + 1.0)
        iw = jnp.maximum(jnp.minimum(x2, x2_i) - jnp.maximum(x1, x1_i) + 1.0, 0.0)
        ih = jnp.maximum(jnp.minimum(y2, y2_i) - jnp.maximum(y1, y1_i) + 1.0, 0.0)
        inter = iw * ih
        iou = inter / (area + area_i - inter)
        suppress = (iou > _NMS_T) & (alive_i > 0.0) & (eidx > i)
        return jnp.where(suppress, zero, alive)

    alive0 = jnp.where(valid, 1.0, 0.0)
    alive = jax.lax.fori_loop(0, _PRE, body, alive0) > 0.0

    out_sc_ref[...] = jnp.where(alive, sc_ref[...], _NEG)


@jax.jit
def kernel(objectness, box_regression, anchors):
    del anchors
    obj = objectness.transpose(0, 2, 3, 1).reshape(_N, -1)
    obj = jax.nn.sigmoid(obj)
    scores, topk_idx = jax.lax.top_k(obj, _PRE)
    breg = (box_regression.reshape(_N, _A, 4, _H, _W)
            .transpose(0, 3, 4, 1, 2).reshape(_N, -1, 4))
    breg = jnp.take_along_axis(breg, topk_idx[:, :, None], axis=1)

    pad = _PRE_PAD - _PRE
    scores_p = jnp.pad(scores, ((0, 0), (0, pad)),
                       constant_values=_NEG).reshape(_N, 16, 128)
    idx_p = jnp.pad(topk_idx, ((0, 0), (0, pad))).astype(jnp.int32)
    idx_p = idx_p.reshape(_N, 16, 128)
    breg_p = jnp.pad(breg, ((0, 0), (0, pad), (0, 0)))
    breg_p = breg_p.transpose(0, 2, 1).reshape(_N, 4, 16, 128)

    masked, boxes = pl.pallas_call(
        _nms_body,
        out_shape=(
            jax.ShapeDtypeStruct((_N, 16, 128), jnp.float32),
            jax.ShapeDtypeStruct((_N, 4, 16, 128), jnp.float32),
        ),
    )(idx_p, scores_p, breg_p)

    masked = masked.reshape(_N, _PRE_PAD)
    boxes = boxes.transpose(0, 2, 3, 1).reshape(_N, _PRE_PAD, 4)
    topv, topi = jax.lax.top_k(masked, _POST)
    out_boxes = jnp.take_along_axis(boxes, topi[:, :, None], axis=1)
    return jnp.concatenate([out_boxes, topv[:, :, None]], axis=-1)

# --- scband reference (transcript-rebuilt; emitter-appended) ---
"""Pipeline reference for scband-rpnpost-processor-13314398618287 (READ-ONLY COPY).

The authoritative reference and input builder live on the scoring server;
editing this copy changes nothing except your own understanding.
"""

import jax, jax.numpy as jnp
import numpy as np

N, A, H, W = 2, 3, 64, 64
IMG_H, IMG_W = 1024.0, 1024.0
PRE_NMS_TOP_N = 2000
POST_NMS_TOP_N = 1000
NMS_THRESH = 0.7
MIN_SIZE = 0.0
BBOX_XFORM_CLIP = float(np.log(1000.0 / 16.0))


def _make_anchors():
    stride = 16.0
    scales = np.array([128.0, 256.0, 512.0], dtype=np.float32)
    shift_x = (np.arange(W, dtype=np.float32) + 0.5) * stride
    shift_y = (np.arange(H, dtype=np.float32) + 0.5) * stride
    cy, cx = np.meshgrid(shift_y, shift_x, indexing='ij')
    cx = cx[:, :, None]
    cy = cy[:, :, None]
    half = (scales / 2.0)[None, None, :]
    x1 = cx - half
    y1 = cy - half
    x2 = cx + half
    y2 = cy + half
    anch = np.stack([x1, y1, x2, y2], axis=-1).reshape(H * W * A, 4)
    return np.broadcast_to(anch[None], (N, H * W * A, 4)).copy()


def setup_inputs(seed: int = 0):
    key = jax.random.key(seed)
    k1, k2 = jax.random.split(key)
    objectness = jax.random.normal(k1, (N, A, H, W), dtype=jnp.float32)
    box_regression = jax.random.normal(k2, (N, A * 4, H, W), dtype=jnp.float32) * 0.5
    anchors = jnp.asarray(_make_anchors())
    return {"objectness": objectness, "box_regression": box_regression, "anchors": anchors}


def _decode(deltas, anchors):
    TO_REMOVE = 1.0
    widths = anchors[:, 2] - anchors[:, 0] + TO_REMOVE
    heights = anchors[:, 3] - anchors[:, 1] + TO_REMOVE
    ctr_x = anchors[:, 0] + 0.5 * widths
    ctr_y = anchors[:, 1] + 0.5 * heights
    dx = deltas[:, 0]
    dy = deltas[:, 1]
    dw = jnp.minimum(deltas[:, 2], BBOX_XFORM_CLIP)
    dh = jnp.minimum(deltas[:, 3], BBOX_XFORM_CLIP)
    pred_ctr_x = dx * widths + ctr_x
    pred_ctr_y = dy * heights + ctr_y
    pred_w = jnp.exp(dw) * widths
    pred_h = jnp.exp(dh) * heights
    x1 = pred_ctr_x - 0.5 * pred_w
    y1 = pred_ctr_y - 0.5 * pred_h
    x2 = pred_ctr_x + 0.5 * pred_w - 1.0
    y2 = pred_ctr_y + 0.5 * pred_h - 1.0
    return jnp.stack([x1, y1, x2, y2], axis=-1)


def _iou_matrix(boxes):
    TO_REMOVE = 1.0
    area = (boxes[:, 2] - boxes[:, 0] + TO_REMOVE) * (boxes[:, 3] - boxes[:, 1] + TO_REMOVE)
    lt = jnp.maximum(boxes[:, None, :2], boxes[None, :, :2])
    rb = jnp.minimum(boxes[:, None, 2:], boxes[None, :, 2:])
    wh = jnp.maximum(rb - lt + TO_REMOVE, 0.0)
    inter = wh[..., 0] * wh[..., 1]
    return inter / (area[:, None] + area[None, :] - inter)


def _nms_keep(boxes, valid):
    # boxes are assumed sorted by descending score (true: they come from top_k)
    n = boxes.shape[0]
    iou = _iou_matrix(boxes)
    idx = jnp.arange(n)

    def body(keep, i):
        suppress = (iou[i] > NMS_THRESH) & keep[i] & (idx > i)
        return keep & (~suppress), None

    keep, _ = jax.lax.scan(body, valid, jnp.arange(n))
    return keep


def reference(objectness, box_regression, anchors):
    # objectness: [N, A, H, W] -> [N, H*W*A], sigmoid
    obj = objectness.transpose(0, 2, 3, 1).reshape(N, -1)
    obj = jax.nn.sigmoid(obj)
    pre_nms_top_n = min(PRE_NMS_TOP_N, A * H * W)
    scores, topk_idx = jax.lax.top_k(obj, pre_nms_top_n)
    # box_regression: [N, A*4, H, W] -> [N, H*W*A, 4]
    breg = box_regression.reshape(N, A, 4, H, W).transpose(0, 3, 4, 1, 2).reshape(N, -1, 4)
    breg = jnp.take_along_axis(breg, topk_idx[:, :, None], axis=1)
    anch = jnp.take_along_axis(anchors, topk_idx[:, :, None], axis=1)
    proposals = _decode(breg.reshape(-1, 4), anch.reshape(-1, 4)).reshape(N, -1, 4)
    # clip_to_image (remove_empty=False)
    x1 = jnp.clip(proposals[..., 0], 0.0, IMG_W - 1.0)
    y1 = jnp.clip(proposals[..., 1], 0.0, IMG_H - 1.0)
    x2 = jnp.clip(proposals[..., 2], 0.0, IMG_W - 1.0)
    y2 = jnp.clip(proposals[..., 3], 0.0, IMG_H - 1.0)
    proposals = jnp.stack([x1, y1, x2, y2], axis=-1)
    # remove_small_boxes (as a validity mask; fixed shapes in jax)
    ws = proposals[..., 2] - proposals[..., 0] + 1.0
    hs = proposals[..., 3] - proposals[..., 1] + 1.0
    valid = (ws >= MIN_SIZE) & (hs >= MIN_SIZE)

    def per_image(boxes, sc, val):
        keep = _nms_keep(jax.lax.stop_gradient(boxes), val)
        masked = jnp.where(keep, sc, -1e10)
        topv, topi = jax.lax.top_k(masked, POST_NMS_TOP_N)
        out_boxes = boxes[topi]
        return jnp.concatenate([out_boxes, topv[:, None]], axis=-1)

    out = jax.vmap(per_image)(proposals, scores, valid)
    return out

if __name__ == "__main__":
    import jax
    _d = setup_inputs()
    print(jax.jit(kernel)(*tuple(_d.values())))

</pallas_src>

<mosaic_0001>
module attributes {stable_mosaic.version = 14 : i64} {
  func.func @_nms_body(%arg0: memref<2x16x128xi32, #tpu.memory_space<vmem>>, %arg1: memref<2x16x128xf32, #tpu.memory_space<vmem>>, %arg2: memref<2x4x16x128xf32, #tpu.memory_space<vmem>>, %arg3: memref<2x16x128xf32, #tpu.memory_space<vmem>>, %arg4: memref<2x4x16x128xf32, #tpu.memory_space<vmem>>) attributes {dimension_semantics = [], scalar_prefetch = 0 : i64, scratch_operands = 0 : i64, tpu.core_type = #tpu.core_type<tc>} {
    %get3A = arith.constant 0 : index
    %get3A_0 = arith.constant 0 : index
    %get3A_1 = arith.constant 0 : index
    %get3A_2 = vector.load %arg0[%get3A, %get3A_0, %get3A_1] : memref<2x16x128xi32, #tpu.memory_space<vmem>>, vector<2x16x128xi32>
    %jit3A = arith.constant 3 : i32
    %eq3A = arith.constant 0 : i32
    %eq3A_3 = arith.cmpi eq, %jit3A, %eq3A : i32
    %jit3A_4 = arith.constant 1 : i32
    %select_n3A = arith.select %eq3A_3, %jit3A_4, %jit3A : i32
    %rem3A = vector.broadcast %select_n3A : i32 to vector<2x16x128xi32>
    %rem3A_5 = arith.remsi %get3A_2, %rem3A : vector<2x16x128xi32>
    %ne3A = arith.constant 0 : i32
    %ne3A_6 = vector.broadcast %ne3A : i32 to vector<2x16x128xi32>
    %ne3A_7 = arith.cmpi ne, %rem3A_5, %ne3A_6 : vector<2x16x128xi32>
    %lt3A = arith.constant 0 : i32
    %lt3A_8 = vector.broadcast %lt3A : i32 to vector<2x16x128xi32>
    %lt3A_9 = arith.cmpi slt, %rem3A_5, %lt3A_8 : vector<2x16x128xi32>
    %lt3A_10 = arith.constant 0 : i32
    %lt3A_11 = arith.cmpi slt, %select_n3A, %lt3A_10 : i32
    %ne3A_12 = vector.broadcast %lt3A_11 : i1 to vector<2x16x128xi1>
    %ne3A_13 = vector.broadcast %ne3A_12 : vector<2x16x128xi1> to vector<2x16x128xi1>
    %ne3A_14 = arith.xori %lt3A_9, %ne3A_13 : vector<2x16x128xi1>
    %and3A = arith.andi %ne3A_14, %ne3A_7 : vector<2x16x128xi1>
    %add3A = vector.broadcast %select_n3A : i32 to vector<2x16x128xi32>
    %add3A_15 = arith.addi %rem3A_5, %add3A : vector<2x16x128xi32>
    %select_n3A_16 = arith.select %and3A, %add3A_15, %rem3A_5 : vector<2x16x128xi1>, vector<2x16x128xi32>
    %jit3A_17 = arith.constant 3 : i32
    %div3A = vector.broadcast %jit3A_17 : i32 to vector<2x16x128xi32>
    %div3A_18 = arith.divsi %get3A_2, %div3A : vector<2x16x128xi32>
    %sign3A = arith.constant 0 : i32
    %sign3A_19 = vector.broadcast %sign3A : i32 to vector<2x16x128xi32>
    %sign3A_20 = arith.cmpi sgt, %get3A_2, %sign3A_19 : vector<2x16x128xi32>
    %sign3A_21 = arith.extui %sign3A_20 : vector<2x16x128xi1> to vector<2x16x128xi32>
    %sign3A_22 = arith.constant 0 : i32
    %sign3A_23 = vector.broadcast %sign3A_22 : i32 to vector<2x16x128xi32>
    %sign3A_24 = arith.cmpi slt, %get3A_2, %sign3A_23 : vector<2x16x128xi32>
    %sign3A_25 = arith.extui %sign3A_24 : vector<2x16x128xi1> to vector<2x16x128xi32>
    %sign3A_26 = arith.subi %sign3A_21, %sign3A_25 : vector<2x16x128xi32>
    %sign3A_27 = arith.constant 0 : i32
    %sign3A_28 = arith.cmpi sgt, %jit3A_17, %sign3A_27 : i32
    %sign3A_29 = arith.extui %sign3A_28 : i1 to i32
    %sign3A_30 = arith.constant 0 : i32
    %sign3A_31 = arith.cmpi slt, %jit3A_17, %sign3A_30 : i32
    %sign3A_32 = arith.extui %sign3A_31 : i1 to i32
    %sign3A_33 = arith.subi %sign3A_29, %sign3A_32 : i32
    %ne3A_34 = vector.broadcast %sign3A_33 : i32 to vector<2x16x128xi32>
    %ne3A_35 = arith.cmpi ne, %sign3A_26, %ne3A_34 : vector<2x16x128xi32>
    %rem3A_36 = vector.broadcast %jit3A_17 : i32 to vector<2x16x128xi32>
    %rem3A_37 = arith.remsi %get3A_2, %rem3A_36 : vector<2x16x128xi32>
    %ne3A_38 = arith.constant 0 : i32
    %ne3A_39 = vector.broadcast %ne3A_38 : i32 to vector<2x16x128xi32>
    %ne3A_40 = arith.cmpi ne, %rem3A_37, %ne3A_39 : vector<2x16x128xi32>
    %and3A_41 = arith.andi %ne3A_35, %ne3A_40 : vector<2x16x128xi1>
    %sub3A = arith.constant 1 : i32
    %sub3A_42 = vector.broadcast %sub3A : i32 to vector<2x16x128xi32>
    %sub3A_43 = arith.subi %div3A_18, %sub3A_42 : vector<2x16x128xi32>
    %select_n3A_44 = arith.select %and3A_41, %sub3A_43, %div3A_18 : vector<2x16x128xi1>, vector<2x16x128xi32>
    %jit3A_45 = arith.constant 64 : i32
    %eq3A_46 = arith.constant 0 : i32
    %eq3A_47 = arith.cmpi eq, %jit3A_45, %eq3A_46 : i32
    %jit3A_48 = arith.constant 1 : i32
    %select_n3A_49 = arith.select %eq3A_47, %jit3A_48, %jit3A_45 : i32
    %rem3A_50 = vector.broadcast %select_n3A_49 : i32 to vector<2x16x128xi32>
    %rem3A_51 = arith.remsi %select_n3A_44, %rem3A_50 : vector<2x16x128xi32>
    %ne3A_52 = arith.constant 0 : i32
    %ne3A_53 = vector.broadcast %ne3A_52 : i32 to vector<2x16x128xi32>
    %ne3A_54 = arith.cmpi ne, %rem3A_51, %ne3A_53 : vector<2x16x128xi32>
    %lt3A_55 = arith.constant 0 : i32
    %lt3A_56 = vector.broadcast %lt3A_55 : i32 to vector<2x16x128xi32>
    %lt3A_57 = arith.cmpi slt, %rem3A_51, %lt3A_56 : vector<2x16x128xi32>
    %lt3A_58 = arith.constant 0 : i32
    %lt3A_59 = arith.cmpi slt, %select_n3A_49, %lt3A_58 : i32
    %ne3A_60 = vector.broadcast %lt3A_59 : i1 to vector<2x16x128xi1>
    %ne3A_61 = vector.broadcast %ne3A_60 : vector<2x16x128xi1> to vector<2x16x128xi1>
    %ne3A_62 = arith.xori %lt3A_57, %ne3A_61 : vector<2x16x128xi1>
    %and3A_63 = arith.andi %ne3A_62, %ne3A_54 : vector<2x16x128xi1>
    %add3A_64 = vector.broadcast %select_n3A_49 : i32 to vector<2x16x128xi32>
    %add3A_65 = arith.addi %rem3A_51, %add3A_64 : vector<2x16x128xi32>
    %select_n3A_66 = arith.select %and3A_63, %add3A_65, %rem3A_51 : vector<2x16x128xi1>, vector<2x16x128xi32>
    %jit3A_67 = arith.constant 64 : i32
    %div3A_68 = vector.broadcast %jit3A_67 : i32 to vector<2x16x128xi32>
    %div3A_69 = arith.divsi %select_n3A_44, %div3A_68 : vector<2x16x128xi32>
    %sign3A_70 = arith.constant 0 : i32
    %sign3A_71 = vector.broadcast %sign3A_70 : i32 to vector<2x16x128xi32>
    %sign3A_72 = arith.cmpi sgt, %select_n3A_44, %sign3A_71 : vector<2x16x128xi32>
    %sign3A_73 = arith.extui %sign3A_72 : vector<2x16x128xi1> to vector<2x16x128xi32>
    %sign3A_74 = arith.constant 0 : i32
    %sign3A_75 = vector.broadcast %sign3A_74 : i32 to vector<2x16x128xi32>
    %sign3A_76 = arith.cmpi slt, %select_n3A_44, %sign3A_75 : vector<2x16x128xi32>
    %sign3A_77 = arith.extui %sign3A_76 : vector<2x16x128xi1> to vector<2x16x128xi32>
    %sign3A_78 = arith.subi %sign3A_73, %sign3A_77 : vector<2x16x128xi32>
    %sign3A_79 = arith.constant 0 : i32
    %sign3A_80 = arith.cmpi sgt, %jit3A_67, %sign3A_79 : i32
    %sign3A_81 = arith.extui %sign3A_80 : i1 to i32
    %sign3A_82 = arith.constant 0 : i32
    %sign3A_83 = arith.cmpi slt, %jit3A_67, %sign3A_82 : i32
    %sign3A_84 = arith.extui %sign3A_83 : i1 to i32
    %sign3A_85 = arith.subi %sign3A_81, %sign3A_84 : i32
    %ne3A_86 = vector.broadcast %sign3A_85 : i32 to vector<2x16x128xi32>
    %ne3A_87 = arith.cmpi ne, %sign3A_78, %ne3A_86 : vector<2x16x128xi32>
    %rem3A_88 = vector.broadcast %jit3A_67 : i32 to vector<2x16x128xi32>
    %rem3A_89 = arith.remsi %select_n3A_44, %rem3A_88 : vector<2x16x128xi32>
    %ne3A_90 = arith.constant 0 : i32
    %ne3A_91 = vector.broadcast %ne3A_90 : i32 to vector<2x16x128xi32>
    %ne3A_92 = arith.cmpi ne, %rem3A_89, %ne3A_91 : vector<2x16x128xi32>
    %and3A_93 = arith.andi %ne3A_87, %ne3A_92 : vector<2x16x128xi1>
    %sub3A_94 = arith.constant 1 : i32
    %sub3A_95 = vector.broadcast %sub3A_94 : i32 to vector<2x16x128xi32>
    %sub3A_96 = arith.subi %div3A_69, %sub3A_95 : vector<2x16x128xi32>
    %select_n3A_97 = arith.select %and3A_93, %sub3A_96, %div3A_69 : vector<2x16x128xi1>, vector<2x16x128xi32>
    %convert_element_type3A = arith.sitofp %select_n3A_66 : vector<2x16x128xi32> to vector<2x16x128xf32>
    %add3A_98 = arith.constant 5.000000e-01 : f32
    %add3A_99 = vector.broadcast %add3A_98 : f32 to vector<2x16x128xf32>
    %add3A_100 = arith.addf %convert_element_type3A, %add3A_99 : vector<2x16x128xf32>
    %mul3A = arith.constant 1.600000e+01 : f32
    %mul3A_101 = vector.broadcast %mul3A : f32 to vector<2x16x128xf32>
    %mul3A_102 = arith.mulf %add3A_100, %mul3A_101 : vector<2x16x128xf32>
    %convert_element_type3A_103 = arith.sitofp %select_n3A_97 : vector<2x16x128xi32> to vector<2x16x128xf32>
    %add3A_104 = arith.constant 5.000000e-01 : f32
    %add3A_105 = vector.broadcast %add3A_104 : f32 to vector<2x16x128xf32>
    %add3A_106 = arith.addf %convert_element_type3A_103, %add3A_105 : vector<2x16x128xf32>
    %mul3A_107 = arith.constant 1.600000e+01 : f32
    %mul3A_108 = vector.broadcast %mul3A_107 : f32 to vector<2x16x128xf32>
    %mul3A_109 = arith.mulf %add3A_106, %mul3A_108 : vector<2x16x128xf32>
    %eq3A_110 = arith.constant 0 : i32
    %eq3A_111 = vector.broadcast %eq3A_110 : i32 to vector<2x16x128xi32>
    %eq3A_112 = arith.cmpi eq, %select_n3A_16, %eq3A_111 : vector<2x16x128xi32>
    %eq3A_113 = arith.constant 1 : i32
    %eq3A_114 = vector.broadcast %eq3A_113 : i32 to vector<2x16x128xi32>
    %eq3A_115 = arith.cmpi eq, %select_n3A_16, %eq3A_114 : vector<2x16x128xi32>
    %jit3A_116 = arith.constant 1.280000e+02 : f32
    %jit3A_117 = arith.constant 2.560000e+02 : f32
    %broadcast_in_dim3A = vector.broadcast %jit3A_116 : f32 to vector<2x16x128xf32>
    %broadcast_in_dim3A_118 = vector.broadcast %jit3A_117 : f32 to vector<2x16x128xf32>
    %select_n3A_119 = arith.select %eq3A_115, %broadcast_in_dim3A, %broadcast_in_dim3A_118 : vector<2x16x128xi1>, vector<2x16x128xf32>
    %jit3A_120 = arith.constant 6.400000e+01 : f32
    %broadcast_in_dim3A_121 = vector.broadcast %jit3A_120 : f32 to vector<2x16x128xf32>
    %select_n3A_122 = arith.select %eq3A_112, %broadcast_in_dim3A_121, %select_n3A_119 : vector<2x16x128xi1>, vector<2x16x128xf32>
    %sub3A_123 = arith.subf %mul3A_102, %select_n3A_122 : vector<2x16x128xf32>
    %sub3A_124 = arith.subf %mul3A_109, %select_n3A_122 : vector<2x16x128xf32>
    %add3A_125 = arith.addf %mul3A_102, %select_n3A_122 : vector<2x16x128xf32>
    %add3A_126 = arith.addf %mul3A_109, %select_n3A_122 : vector<2x16x128xf32>
    %sub3A_127 = arith.subf %add3A_125, %sub3A_123 : vector<2x16x128xf32>
    %add3A_128 = arith.constant 1.000000e+00 : f32
    %add3A_129 = vector.broadcast %add3A_128 : f32 to vector<2x16x128xf32>
    %add3A_130 = arith.addf %sub3A_127, %add3A_129 : vector<2x16x128xf32>
    %sub3A_131 = arith.subf %add3A_126, %sub3A_124 : vector<2x16x128xf32>
    %add3A_132 = arith.constant 1.000000e+00 : f32
    %add3A_133 = vector.broadcast %add3A_132 : f32 to vector<2x16x128xf32>
    %add3A_134 = arith.addf %sub3A_131, %add3A_133 : vector<2x16x128xf32>
    %mul3A_135 = arith.constant 5.000000e-01 : f32
    %mul3A_136 = vector.broadcast %mul3A_135 : f32 to vector<2x16x128xf32>
    %mul3A_137 = arith.mulf %mul3A_136, %add3A_130 : vector<2x16x128xf32>
    %add3A_138 = arith.addf %sub3A_123, %mul3A_137 : vector<2x16x128xf32>
    %mul3A_139 = arith.constant 5.000000e-01 : f32
    %mul3A_140 = vector.broadcast %mul3A_139 : f32 to vector<2x16x128xf32>
    %mul3A_141 = arith.mulf %mul3A_140, %add3A_134 : vector<2x16x128xf32>
    %add3A_142 = arith.addf %sub3A_124, %mul3A_141 : vector<2x16x128xf32>
    %get3A_143 = arith.constant 0 : index
    %get3A_144 = arith.constant 0 : index
    %get3A_145 = arith.constant 0 : index
    %get3A_146 = arith.constant 0 : index
    %get3A_147 = vector.load %arg2[%get3A_143, %get3A_144, %get3A_145, %get3A_146] : memref<2x4x16x128xf32, #tpu.memory_space<vmem>>, vector<2x1x16x128xf32>
    %get3A_148 = vector.shape_cast %get3A_147 : vector<2x1x16x128xf32> to vector<2x16x128xf32>
    %get3A_149 = arith.constant 0 : index
    %get3A_150 = arith.constant 1 : index
    %get3A_151 = arith.constant 0 : index
    %get3A_152 = arith.constant 0 : index
    %get3A_153 = vector.load %arg2[%get3A_149, %get3A_150, %get3A_151, %get3A_152] : memref<2x4x16x128xf32, #tpu.memory_space<vmem>>, vector<2x1x16x128xf32>
    %get3A_154 = vector.shape_cast %get3A_153 : vector<2x1x16x128xf32> to vector<2x16x128xf32>
    %get3A_155 = arith.constant 0 : index
    %get3A_156 = arith.constant 2 : index
    %get3A_157 = arith.constant 0 : index
    %get3A_158 = arith.constant 0 : index
    %get3A_159 = vector.load %arg2[%get3A_155, %get3A_156, %get3A_157, %get3A_158] : memref<2x4x16x128xf32, #tpu.memory_space<vmem>>, vector<2x1x16x128xf32>
    %get3A_160 = vector.shape_cast %get3A_159 : vector<2x1x16x128xf32> to vector<2x16x128xf32>
    %min3A = arith.constant 4.13516665 : f32
    %min3A_161 = vector.broadcast %min3A : f32 to vector<2x16x128xf32>
    %min3A_162 = arith.minimumf %get3A_160, %min3A_161 : vector<2x16x128xf32>
    %get3A_163 = arith.constant 0 : index
    %get3A_164 = arith.constant 3 : index
    %get3A_165 = arith.constant 0 : index
    %get3A_166 = arith.constant 0 : index
    %get3A_167 = vector.load %arg2[%get3A_163, %get3A_164, %get3A_165, %get3A_166] : memref<2x4x16x128xf32, #tpu.memory_space<vmem>>, vector<2x1x16x128xf32>
    %get3A_168 = vector.shape_cast %get3A_167 : vector<2x1x16x128xf32> to vector<2x16x128xf32>
    %min3A_169 = arith.constant 4.13516665 : f32
    %min3A_170 = vector.broadcast %min3A_169 : f32 to vector<2x16x128xf32>
    %min3A_171 = arith.minimumf %get3A_168, %min3A_170 : vector<2x16x128xf32>
    %mul3A_172 = arith.mulf %get3A_148, %add3A_130 : vector<2x16x128xf32>
    %add3A_173 = arith.addf %mul3A_172, %add3A_138 : vector<2x16x128xf32>
    %mul3A_174 = arith.mulf %get3A_154, %add3A_134 : vector<2x16x128xf32>
    %add3A_175 = arith.addf %mul3A_174, %add3A_142 : vector<2x16x128xf32>
    %exp3A = math.exp %min3A_162 : vector<2x16x128xf32>
    %mul3A_176 = arith.mulf %exp3A, %add3A_130 : vector<2x16x128xf32>
    %exp3A_177 = math.exp %min3A_171 : vector<2x16x128xf32>
    %mul3A_178 = arith.mulf %exp3A_177, %add3A_134 : vector<2x16x128xf32>
    %mul3A_179 = arith.constant 5.000000e-01 : f32
    %mul3A_180 = vector.broadcast %mul3A_179 : f32 to vector<2x16x128xf32>
    %mul3A_181 = arith.mulf %mul3A_180, %mul3A_176 : vector<2x16x128xf32>
    %sub3A_182 = arith.subf %add3A_173, %mul3A_181 : vector<2x16x128xf32>
    %jit3A_183 = arith.constant 0.000000e+00 : f32
    %jit3A_184 = arith.constant 1.023000e+03 : f32
    %max3A = vector.broadcast %jit3A_183 : f32 to vector<2x16x128xf32>
    %max3A_185 = arith.maximumf %max3A, %sub3A_182 : vector<2x16x128xf32>
    %min3A_186 = vector.broadcast %jit3A_184 : f32 to vector<2x16x128xf32>
    %min3A_187 = arith.minimumf %min3A_186, %max3A_185 : vector<2x16x128xf32>
    %mul3A_188 = arith.constant 5.000000e-01 : f32
    %mul3A_189 = vector.broadcast %mul3A_188 : f32 to vector<2x16x128xf32>
    %mul3A_190 = arith.mulf %mul3A_189, %mul3A_178 : vector<2x16x128xf32>
    %sub3A_191 = arith.subf %add3A_175, %mul3A_190 : vector<2x16x128xf32>
    %jit3A_192 = arith.constant 0.000000e+00 : f32
    %jit3A_193 = arith.constant 1.023000e+03 : f32
    %max3A_194 = vector.broadcast %jit3A_192 : f32 to vector<2x16x128xf32>
    %max3A_195 = arith.maximumf %max3A_194, %sub3A_191 : vector<2x16x128xf32>
    %min3A_196 = vector.broadcast %jit3A_193 : f32 to vector<2x16x128xf32>
    %min3A_197 = arith.minimumf %min3A_196, %max3A_195 : vector<2x16x128xf32>
    %mul3A_198 = arith.constant 5.000000e-01 : f32
    %mul3A_199 = vector.broadcast %mul3A_198 : f32 to vector<2x16x128xf32>
    %mul3A_200 = arith.mulf %mul3A_199, %mul3A_176 : vector<2x16x128xf32>
    %add3A_201 = arith.addf %add3A_173, %mul3A_200 : vector<2x16x128xf32>
    %sub3A_202 = arith.constant 1.000000e+00 : f32
    %sub3A_203 = vector.broadcast %sub3A_202 : f32 to vector<2x16x128xf32>
    %sub3A_204 = arith.subf %add3A_201, %sub3A_203 : vector<2x16x128xf32>
    %jit3A_205 = arith.constant 0.000000e+00 : f32
    %jit3A_206 = arith.constant 1.023000e+03 : f32
    %max3A_207 = vector.broadcast %jit3A_205 : f32 to vector<2x16x128xf32>
    %max3A_208 = arith.maximumf %max3A_207, %sub3A_204 : vector<2x16x128xf32>
    %min3A_209 = vector.broadcast %jit3A_206 : f32 to vector<2x16x128xf32>
    %min3A_210 = arith.minimumf %min3A_209, %max3A_208 : vector<2x16x128xf32>
    %mul3A_211 = arith.constant 5.000000e-01 : f32
    %mul3A_212 = vector.broadcast %mul3A_211 : f32 to vector<2x16x128xf32>
    %mul3A_213 = arith.mulf %mul3A_212, %mul3A_178 : vector<2x16x128xf32>
    %add3A_214 = arith.addf %add3A_175, %mul3A_213 : vector<2x16x128xf32>
    %sub3A_215 = arith.constant 1.000000e+00 : f32
    %sub3A_216 = vector.broadcast %sub3A_215 : f32 to vector<2x16x128xf32>
    %sub3A_217 = arith.subf %add3A_214, %sub3A_216 : vector<2x16x128xf32>
    %jit3A_218 = arith.constant 0.000000e+00 : f32
    %jit3A_219 = arith.constant 1.023000e+03 : f32
    %max3A_220 = vector.broadcast %jit3A_218 : f32 to vector<2x16x128xf32>
    %max3A_221 = arith.maximumf %max3A_220, %sub3A_217 : vector<2x16x128xf32>
    %min3A_222 = vector.broadcast %jit3A_219 : f32 to vector<2x16x128xf32>
    %min3A_223 = arith.minimumf %min3A_222, %max3A_221 : vector<2x16x128xf32>
    %sub3A_224 = arith.subf %min3A_210, %min3A_187 : vector<2x16x128xf32>
    %add3A_225 = arith.constant 1.000000e+00 : f32
    %add3A_226 = vector.broadcast %add3A_225 : f32 to vector<2x16x128xf32>
    %add3A_227 = arith.addf %sub3A_224, %add3A_226 : vector<2x16x128xf32>
    %sub3A_228 = arith.subf %min3A_223, %min3A_197 : vector<2x16x128xf32>
    %add3A_229 = arith.constant 1.000000e+00 : f32
    %add3A_230 = vector.broadcast %add3A_229 : f32 to vector<2x16x128xf32>
    %add3A_231 = arith.addf %sub3A_228, %add3A_230 : vector<2x16x128xf32>
    %mul3A_232 = arith.mulf %add3A_227, %add3A_231 : vector<2x16x128xf32>
    %iota3A = tpu.iota {dimensions = array<i32: 1>} : vector<2x16x128xi32>
    %mul3A_233 = arith.constant 128 : i32
    %mul3A_234 = vector.broadcast %mul3A_233 : i32 to vector<2x16x128xi32>
    %mul3A_235 = arith.muli %iota3A, %mul3A_234 : vector<2x16x128xi32>
    %iota3A_236 = tpu.iota {dimensions = array<i32: 2>} : vector<2x16x128xi32>
    %add3A_237 = arith.addi %mul3A_235, %iota3A_236 : vector<2x16x128xi32>
    %ge3A = arith.constant 0.000000e+00 : f32
    %ge3A_238 = vector.broadcast %ge3A : f32 to vector<2x16x128xf32>
    %ge3A_239 = arith.cmpf oge, %add3A_227, %ge3A_238 : vector<2x16x128xf32>
    %ge3A_240 = arith.constant 0.000000e+00 : f32
    %ge3A_241 = vector.broadcast %ge3A_240 : f32 to vector<2x16x128xf32>
    %ge3A_242 = arith.cmpf oge, %add3A_231, %ge3A_241 : vector<2x16x128xf32>
    %and3A_243 = arith.andi %ge3A_239, %ge3A_242 : vector<2x16x128xi1>
    %lt3A_244 = arith.constant 2000 : i32
    %lt3A_245 = vector.broadcast %lt3A_244 : i32 to vector<2x16x128xi32>
    %lt3A_246 = arith.cmpi slt, %add3A_237, %lt3A_245 : vector<2x16x128xi32>
    %and3A_247 = arith.andi %and3A_243, %lt3A_246 : vector<2x16x128xi1>
    %swap3A = arith.constant 0 : index
    %swap3A_248 = arith.constant 0 : index
    %swap3A_249 = arith.constant 0 : index
    %swap3A_250 = arith.constant 0 : index
    %swap3A_251 = vector.load %arg4[%swap3A, %swap3A_248, %swap3A_249, %swap3A_250] : memref<2x4x16x128xf32, #tpu.memory_space<vmem>>, vector<2x1x16x128xf32>
    %swap3A_252 = vector.shape_cast %swap3A_251 : vector<2x1x16x128xf32> to vector<2x16x128xf32>
    %swap3A_253 = vector.shape_cast %min3A_187 : vector<2x16x128xf32> to vector<2x1x16x128xf32>
    tpu.vector_store %arg4[%swap3A, %swap3A_248, %swap3A_249, %swap3A_250], %swap3A_253 {strides = array<i32>} : memref<2x4x16x128xf32, #tpu.memory_space<vmem>>, vector<2x1x16x128xf32>,
    %swap3A_254 = arith.constant 0 : index
    %swap3A_255 = arith.constant 1 : index
    %swap3A_256 = arith.constant 0 : index
    %swap3A_257 = arith.constant 0 : index
    %swap3A_258 = vector.load %arg4[%swap3A_254, %swap3A_255, %swap3A_256, %swap3A_257] : memref<2x4x16x128xf32, #tpu.memory_space<vmem>>, vector<2x1x16x128xf32>
    %swap3A_259 = vector.shape_cast %swap3A_258 : vector<2x1x16x128xf32> to vector<2x16x128xf32>
    %swap3A_260 = vector.shape_cast %min3A_197 : vector<2x16x128xf32> to vector<2x1x16x128xf32>
    tpu.vector_store %arg4[%swap3A_254, %swap3A_255, %swap3A_256, %swap3A_257], %swap3A_260 {strides = array<i32>} : memref<2x4x16x128xf32, #tpu.memory_space<vmem>>, vector<2x1x16x128xf32>,
    %swap3A_261 = arith.constant 0 : index
    %swap3A_262 = arith.constant 2 : index
    %swap3A_263 = arith.constant 0 : index
    %swap3A_264 = arith.constant 0 : index
    %swap3A_265 = vector.load %arg4[%swap3A_261, %swap3A_262, %swap3A_263, %swap3A_264] : memref<2x4x16x128xf32, #tpu.memory_space<vmem>>, vector<2x1x16x128xf32>
    %swap3A_266 = vector.shape_cast %swap3A_265 : vector<2x1x16x128xf32> to vector<2x16x128xf32>
    %swap3A_267 = vector.shape_cast %min3A_210 : vector<2x16x128xf32> to vector<2x1x16x128xf32>
    tpu.vector_store %arg4[%swap3A_261, %swap3A_262, %swap3A_263, %swap3A_264], %swap3A_267 {strides = array<i32>} : memref<2x4x16x128xf32, #tpu.memory_space<vmem>>, vector<2x1x16x128xf32>,
    %swap3A_268 = arith.constant 0 : index
    %swap3A_269 = arith.constant 3 : index
    %swap3A_270 = arith.constant 0 : index
    %swap3A_271 = arith.constant 0 : index
    %swap3A_272 = vector.load %arg4[%swap3A_268, %swap3A_269, %swap3A_270, %swap3A_271] : memref<2x4x16x128xf32, #tpu.memory_space<vmem>>, vector<2x1x16x128xf32>
    %swap3A_273 = vector.shape_cast %swap3A_272 : vector<2x1x16x128xf32> to vector<2x16x128xf32>
    %swap3A_274 = vector.shape_cast %min3A_223 : vector<2x16x128xf32> to vector<2x1x16x128xf32>
    tpu.vector_store %arg4[%swap3A_268, %swap3A_269, %swap3A_270, %swap3A_271], %swap3A_274 {strides = array<i32>} : memref<2x4x16x128xf32, #tpu.memory_space<vmem>>, vector<2x1x16x128xf32>,
    %iota3A_275 = tpu.iota {dimensions = array<i32: 3>} : vector<1x1x1x128xi32>
    %jit3A_276 = arith.constant 1.000000e+00 : f32
    %jit3A_277 = arith.constant 0.000000e+00 : f32
    %broadcast_in_dim3A_278 = vector.broadcast %jit3A_276 : f32 to vector<2x16x128xf32>
    %broadcast_in_dim3A_279 = vector.broadcast %jit3A_277 : f32 to vector<2x16x128xf32>
    %select_n3A_280 = arith.select %and3A_247, %broadcast_in_dim3A_278, %broadcast_in_dim3A_279 : vector<2x16x128xi1>, vector<2x16x128xf32>
    %scan3A = arith.constant 0 : i32
    %scan3A_281 = arith.constant 2000 : i32
    %scan3A_282 = arith.addi %scan3A, %scan3A_281 : i32
    %scan3A_283 = arith.constant 1 : i32
    %scan3A_284 = scf.for %scan3A_299 = %scan3A to %scan3A_282 step %scan3A_283 iter_args(%scan3A_300 = %select_n3A_280) -> (vector<2x16x128xf32>)  : i32 {
      %jit3A_301 = arith.constant 128 : i32
      %div3A_302 = arith.divsi %scan3A_299, %jit3A_301 : i32
      %sign3A_303 = arith.constant 0 : i32
      %sign3A_304 = arith.cmpi sgt, %scan3A_299, %sign3A_303 : i32
      %sign3A_305 = arith.extui %sign3A_304 : i1 to i32
      %sign3A_306 = arith.constant 0 : i32
      %sign3A_307 = arith.cmpi slt, %scan3A_299, %sign3A_306 : i32
      %sign3A_308 = arith.extui %sign3A_307 : i1 to i32
      %sign3A_309 = arith.subi %sign3A_305, %sign3A_308 : i32
      %sign3A_310 = arith.constant 0 : i32
      %sign3A_311 = arith.cmpi sgt, %jit3A_301, %sign3A_310 : i32
      %sign3A_312 = arith.extui %sign3A_311 : i1 to i32
      %sign3A_313 = arith.constant 0 : i32
      %sign3A_314 = arith.cmpi slt, %jit3A_301, %sign3A_313 : i32
      %sign3A_315 = arith.extui %sign3A_314 : i1 to i32
      %sign3A_316 = arith.subi %sign3A_312, %sign3A_315 : i32
      %ne3A_317 = arith.cmpi ne, %sign3A_309, %sign3A_316 : i32
      %rem3A_318 = arith.remsi %scan3A_299, %jit3A_301 : i32
      %ne3A_319 = arith.constant 0 : i32
      %ne3A_320 = arith.cmpi ne, %rem3A_318, %ne3A_319 : i32
      %and3A_321 = arith.andi %ne3A_317, %ne3A_320 : i1
      %sub3A_322 = arith.constant 1 : i32
      %sub3A_323 = arith.subi %div3A_302, %sub3A_322 : i32
      %select_n3A_324 = arith.select %and3A_321, %sub3A_323, %div3A_302 : i32
      %jit3A_325 = arith.constant 128 : i32
      %eq3A_326 = arith.constant 0 : i32
      %eq3A_327 = arith.cmpi eq, %jit3A_325, %eq3A_326 : i32
      %jit3A_328 = arith.constant 1 : i32
      %select_n3A_329 = arith.select %eq3A_327, %jit3A_328, %jit3A_325 : i32
      %rem3A_330 = arith.remsi %scan3A_299, %select_n3A_329 : i32
      %ne3A_331 = arith.constant 0 : i32
      %ne3A_332 = arith.cmpi ne, %rem3A_330, %ne3A_331 : i32
      %lt3A_333 = arith.constant 0 : i32
      %lt3A_334 = arith.cmpi slt, %rem3A_330, %lt3A_333 : i32
      %lt3A_335 = arith.constant 0 : i32
      %lt3A_336 = arith.cmpi slt, %select_n3A_329, %lt3A_335 : i32
      %ne3A_337 = arith.xori %lt3A_334, %lt3A_336 : i1
      %and3A_338 = arith.andi %ne3A_337, %ne3A_332 : i1
      %add3A_339 = arith.addi %rem3A_330, %select_n3A_329 : i32
      %select_n3A_340 = arith.select %and3A_338, %add3A_339, %rem3A_330 : i32
      %get3A_341 = arith.constant 0 : index
      %get3A_342 = arith.constant 0 : index
      %get3A_343 = arith.index_cast %select_n3A_324 : i32 to index
      %get3A_344 = arith.constant 0 : index
      %get3A_345 = vector.load %arg4[%get3A_341, %get3A_342, %get3A_343, %get3A_344] : memref<2x4x16x128xf32, #tpu.memory_space<vmem>>, vector<2x4x1x128xf32>
      %eq3A_346 = vector.broadcast %select_n3A_340 : i32 to vector<1x1x1x128xi32>
      %eq3A_347 = arith.cmpi eq, %iota3A_275, %eq3A_346 : vector<1x1x1x128xi32>
      %jit3A_348 = arith.constant 0.000000e+00 : f32
      %broadcast_in_dim3A_349 = vector.shape_cast %eq3A_347 : vector<1x1x1x128xi1> to vector<1x1x1x128xi1>
      %broadcast_in_dim3A_350 = vector.broadcast %broadcast_in_dim3A_349 : vector<1x1x1x128xi1> to vector<2x4x1x128xi1>
      %broadcast_in_dim3A_351 = vector.broadcast %jit3A_348 : f32 to vector<2x4x1x128xf32>
      %select_n3A_352 = arith.select %broadcast_in_dim3A_350, %get3A_345, %broadcast_in_dim3A_351 : vector<2x4x1x128xi1>, vector<2x4x1x128xf32>
      %reduce_sum3A = arith.constant dense<0.000000e+00> : vector<2x4x1xf32>
      %reduce_sum3A_353 = vector.multi_reduction <add>, %select_n3A_352, %reduce_sum3A [3] : vector<2x4x1x128xf32> to vector<2x4x1xf32>
      %broadcast_in_dim3A_354 = vector.shape_cast %reduce_sum3A_353 : vector<2x4x1xf32> to vector<2x4x1x1xf32>
      %slice3A = vector.extract_strided_slice %broadcast_in_dim3A_354 {offsets = [0, 0, 0, 0], sizes = [2, 1, 1, 1], strides = [1, 1, 1, 1]} : vector<2x4x1x1xf32> to vector<2x1x1x1xf32>
      %squeeze3A = vector.shape_cast %slice3A : vector<2x1x1x1xf32> to vector<2x1x1xf32>
      %slice3A_355 = vector.extract_strided_slice %broadcast_in_dim3A_354 {offsets = [0, 1, 0, 0], sizes = [2, 1, 1, 1], strides = [1, 1, 1, 1]} : vector<2x4x1x1xf32> to vector<2x1x1x1xf32>
      %squeeze3A_356 = vector.shape_cast %slice3A_355 : vector<2x1x1x1xf32> to vector<2x1x1xf32>
      %slice3A_357 = vector.extract_strided_slice %broadcast_in_dim3A_354 {offsets = [0, 2, 0, 0], sizes = [2, 1, 1, 1], strides = [1, 1, 1, 1]} : vector<2x4x1x1xf32> to vector<2x1x1x1xf32>
      %squeeze3A_358 = vector.shape_cast %slice3A_357 : vector<2x1x1x1xf32> to vector<2x1x1xf32>
      %slice3A_359 = vector.extract_strided_slice %broadcast_in_dim3A_354 {offsets = [0, 3, 0, 0], sizes = [2, 1, 1, 1], strides = [1, 1, 1, 1]} : vector<2x4x1x1xf32> to vector<2x1x1x1xf32>
      %squeeze3A_360 = vector.shape_cast %slice3A_359 : vector<2x1x1x1xf32> to vector<2x1x1xf32>
      %eq3A_361 = vector.broadcast %scan3A_299 : i32 to vector<2x16x128xi32>
      %eq3A_362 = arith.cmpi eq, %add3A_237, %eq3A_361 : vector<2x16x128xi32>
      %jit3A_363 = arith.constant 0.000000e+00 : f32
      %broadcast_in_dim3A_364 = vector.broadcast %jit3A_363 : f32 to vector<2x16x128xf32>
      %select_n3A_365 = arith.select %eq3A_362, %scan3A_300, %broadcast_in_dim3A_364 : vector<2x16x128xi1>, vector<2x16x128xf32>
      %reduce_sum3A_366 = arith.constant dense<0.000000e+00> : vector<2xf32>
      %reduce_sum3A_367 = vector.multi_reduction <add>, %select_n3A_365, %reduce_sum3A_366 [1, 2] : vector<2x16x128xf32> to vector<2xf32>
      %broadcast_in_dim3A_368 = vector.shape_cast %reduce_sum3A_367 : vector<2xf32> to vector<2x1x1xf32>
      %sub3A_369 = arith.subf %squeeze3A_358, %squeeze3A : vector<2x1x1xf32>
      %add3A_370 = arith.constant 1.000000e+00 : f32
      %add3A_371 = vector.broadcast %add3A_370 : f32 to vector<2x1x1xf32>
      %add3A_372 = arith.addf %sub3A_369, %add3A_371 : vector<2x1x1xf32>
      %sub3A_373 = arith.subf %squeeze3A_360, %squeeze3A_356 : vector<2x1x1xf32>
      %add3A_374 = arith.constant 1.000000e+00 : f32
      %add3A_375 = vector.broadcast %add3A_374 : f32 to vector<2x1x1xf32>
      %add3A_376 = arith.addf %sub3A_373, %add3A_375 : vector<2x1x1xf32>
      %mul3A_377 = arith.mulf %add3A_372, %add3A_376 : vector<2x1x1xf32>
      %min3A_378 = vector.broadcast %squeeze3A_358 : vector<2x1x1xf32> to vector<2x16x128xf32>
      %min3A_379 = arith.minimumf %min3A_210, %min3A_378 : vector<2x16x128xf32>
      %max3A_380 = vector.broadcast %squeeze3A : vector<2x1x1xf32> to vector<2x16x128xf32>
      %max3A_381 = arith.maximumf %min3A_187, %max3A_380 : vector<2x16x128xf32>
      %sub3A_382 = arith.subf %min3A_379, %max3A_381 : vector<2x16x128xf32>
      %add3A_383 = arith.constant 1.000000e+00 : f32
      %add3A_384 = vector.broadcast %add3A_383 : f32 to vector<2x16x128xf32>
      %add3A_385 = arith.addf %sub3A_382, %add3A_384 : vector<2x16x128xf32>
      %max3A_386 = arith.constant 0.000000e+00 : f32
      %max3A_387 = vector.broadcast %max3A_386 : f32 to vector<2x16x128xf32>
      %max3A_388 = arith.maximumf %add3A_385, %max3A_387 : vector<2x16x128xf32>
      %min3A_389 = vector.broadcast %squeeze3A_360 : vector<2x1x1xf32> to vector<2x16x128xf32>
      %min3A_390 = arith.minimumf %min3A_223, %min3A_389 : vector<2x16x128xf32>
      %max3A_391 = vector.broadcast %squeeze3A_356 : vector<2x1x1xf32> to vector<2x16x128xf32>
      %max3A_392 = arith.maximumf %min3A_197, %max3A_391 : vector<2x16x128xf32>
      %sub3A_393 = arith.subf %min3A_390, %max3A_392 : vector<2x16x128xf32>
      %add3A_394 = arith.constant 1.000000e+00 : f32
      %add3A_395 = vector.broadcast %add3A_394 : f32 to vector<2x16x128xf32>
      %add3A_396 = arith.addf %sub3A_393, %add3A_395 : vector<2x16x128xf32>
      %max3A_397 = arith.constant 0.000000e+00 : f32
      %max3A_398 = vector.broadcast %max3A_397 : f32 to vector<2x16x128xf32>
      %max3A_399 = arith.maximumf %add3A_396, %max3A_398 : vector<2x16x128xf32>
      %mul3A_400 = arith.mulf %max3A_388, %max3A_399 : vector<2x16x128xf32>
      %add3A_401 = vector.broadcast %mul3A_377 : vector<2x1x1xf32> to vector<2x16x128xf32>
      %add3A_402 = arith.addf %mul3A_232, %add3A_401 : vector<2x16x128xf32>
      %sub3A_403 = arith.subf %add3A_402, %mul3A_400 : vector<2x16x128xf32>
      %div3A_404 = arith.divf %mul3A_400, %sub3A_403 : vector<2x16x128xf32>
      %gt3A_405 = arith.constant 0.699999988 : f32
      %gt3A_406 = vector.broadcast %gt3A_405 : f32 to vector<2x16x128xf32>
      %gt3A_407 = arith.cmpf ogt, %div3A_404, %gt3A_406 : vector<2x16x128xf32>
      %gt3A_408 = arith.constant 0.000000e+00 : f32
      %gt3A_409 = vector.broadcast %gt3A_408 : f32 to vector<2x1x1xf32>
      %gt3A_410 = arith.cmpf ogt, %broadcast_in_dim3A_368, %gt3A_409 : vector<2x1x1xf32>
      %and3A_411 = vector.broadcast %gt3A_410 : vector<2x1x1xi1> to vector<2x16x128xi1>
      %and3A_412 = arith.andi %gt3A_407, %and3A_411 : vector<2x16x128xi1>
      %gt3A_413 = vector.broadcast %scan3A_299 : i32 to vector<2x16x128xi32>
      %gt3A_414 = arith.cmpi sgt, %add3A_237, %gt3A_413 : vector<2x16x128xi32>
      %and3A_415 = arith.andi %and3A_412, %gt3A_414 : vector<2x16x128xi1>
      %jit3A_416 = arith.constant 0.000000e+00 : f32
      %broadcast_in_dim3A_417 = vector.broadcast %jit3A_416 : f32 to vector<2x16x128xf32>
      %select_n3A_418 = arith.select %and3A_415, %broadcast_in_dim3A_417, %scan3A_300 : vector<2x16x128xi1>, vector<2x16x128xf32>
      scf.yield %select_n3A_418 : vector<2x16x128xf32>
    }
    %scan3A_285 = arith.constant 2000 : i32
    %gt3A = arith.constant 0.000000e+00 : f32
    %gt3A_286 = vector.broadcast %gt3A : f32 to vector<2x16x128xf32>
    %gt3A_287 = arith.cmpf ogt, %scan3A_284, %gt3A_286 : vector<2x16x128xf32>
    %get3A_288 = arith.constant 0 : index
    %get3A_289 = arith.constant 0 : index
    %get3A_290 = arith.constant 0 : index
    %get3A_291 = vector.load %arg1[%get3A_288, %get3A_289, %get3A_290] : memref<2x16x128xf32, #tpu.memory_space<vmem>>, vector<2x16x128xf32>
    %jit3A_292 = arith.constant -1.000000e+10 : f32
    %broadcast_in_dim3A_293 = vector.broadcast %jit3A_292 : f32 to vector<2x16x128xf32>
    %select_n3A_294 = arith.select %gt3A_287, %get3A_291, %broadcast_in_dim3A_293 : vector<2x16x128xi1>, vector<2x16x128xf32>
    %swap3A_295 = arith.constant 0 : index
    %swap3A_296 = arith.constant 0 : index
    %swap3A_297 = arith.constant 0 : index
    %swap3A_298 = vector.load %arg3[%swap3A_295, %swap3A_296, %swap3A_297] : memref<2x16x128xf32, #tpu.memory_space<vmem>>, vector<2x16x128xf32>
    tpu.vector_store %arg3[%swap3A_295, %swap3A_296, %swap3A_297], %select_n3A_294 {strides = array<i32>} : memref<2x16x128xf32, #tpu.memory_space<vmem>>, vector<2x16x128xf32>,
    return
  }
}

</mosaic_0001>

<sc_bundles>
// kernel: gather_offload_async_start.1
scs
__scs_entry_jumppad:
0x0: {  	(pc) =	sbr.rel $0x88, $3  }
0x1: {  	(tag) =	ssettag $0x0;
	lr =	simm.s32 $0x1  }
0x2: {  	[smem:$0x3F9F] =	sst lr;
	_ =	strace $0xD0000000  }
0x3: {  	_ = 	snop  }
0x4: {  	_ = 	snop  }
0x5: {  	_ = 	snop  }
0x6: {  	_ = 	snop  }
0x7: {  	_ = 	snop  }
__scs_overlays_trampoline_lowered:
0x8: {  	[smem:$0x3FAE] =	sst s0  }
0x9: {  	[smem:$0x3FAF] =	sst s1  }
0xa: {  	[smem:$0x3FB0] =	sst s2  }
0xb: {  	[smem:$0x3FB1] =	sst s3  }
0xc: {  	[smem:$0x3FB2] =	sst s4  }
0xd: {  	[smem:$0x3FB3] =	sst s5  }
0xe: {  	[smem:$0x3FB4] =	sst s6  }
0xf: {  	[smem:$0x3FB5] =	sst s7  }
0x10: {  	[smem:$0x3FB6] =	sst s8  }
0x11: {  	[smem:$0x3FB7] =	sst s9;
	s0 =	simm.s32 @!p0 $0x0  }
0x12: {  	s1 =	sld [smem:$0x3F9D];
	s0 =	simm.s32 @p0 $0x1  }
0x13: {  	[smem:$0x3FB8] =	sst s0;
	s0 =	simm.s32 @!p1 $0x0  }
0x14: {  	s2 =	sld [smem:$0x3F9C];
	s0 =	simm.s32 @p1 $0x1  }
0x15: {  	[smem:$0x3FB9] =	sst s0;
	s0 =	simm.s32 @!p2 $0x0  }
0x16: {  	s3 =	sld [smem:$0x3FDB];
	s0 =	simm.s32 @p2 $0x1  }
0x17: {  	s4 =	simm.s32 $0x1BF5;
	[smem:$0x3FBB] =	sst s0  }
0x18: {  	s0 =	sld [smem:$0x3F9E];
	_ =	swait.ge [sflag:s4], $0x0  }
0x19: {  	s7 =	sld [smem:$0x3F9F]  }
0x1a: {  	s8 =	sadd.s32 $0xFFFFE003, lr  }
0x1b: {  	s9 =	sadd.s32 $0xFFFFFEF7, lr;
	s5 =	simm.s32 $0xFFFFFFFF;
	p2 =	slt.u32 s8, $0xFFFFF086  }
0x1c: {  	p1 =	slt.u32 s9, $0xF7A;
	s5 =	simm.s32 @!p2 $0x0  }
0x1d: {  	s5 =	simm.s32 @p1 $0x1;
	p0 =	seq.s32 s7, s2  }
0x1e: {  	s7 =	smul.u32 @!p0 $0xF7A, s2;
	p2 =	seq.s32 @!p0 s5, $0x0  }
0x1f: {  	s9 =	smul.u32 $0xF7A, s1;
	s8 =	simm.s32 @!p0 $0x1BF5;
	p2 =	por !p2, p0  }
0x20: {  	[sflag:s8] =	ssyncset.s32 @!p0 $0xFFFFF086;
	s6 =	sadd.s32 @!p0 s3, s7;
	s7 =	simm.s32 @!p0 $0x108  }
0x21: {  	s3 =	sadd.s32 s3, s9;
	s6 =	sadd.s32 @!p0 $0x88, s6;
	s7 =	simm.s32 @p2 $0x1082  }
0x22: {  	[simem:s7], [sflag:s8] =	dma.local @!p0 [hbm:s6], $0xF7A  }
0x23: {  	s9 =	sor.u32 $0xD0000000, s2;
	s6 =	simm.s32 $0x108;
	_ =	swait.ge @!p0 [sflag:s8], $0x0  }
0x24: {  	s3 =	sadd.s32 $0x88, s3;
	s6 =	simm.s32 @!p1 $0x1082;
	[sflag:s4] =	ssyncset.s32 $0xFFFFF086  }
0x25: {  	[simem:s6], [sflag:s4] =	dma.local [hbm:s3], $0xF7A  }
0x26: {  	[smem:$0x3F9F] =	sst s1;
	(tag) =	ssettag s2;
	_ =	strace s9  }
0x27: {  	s1 =	sld [smem:$0x3FAF]  }
0x28: {  	s2 =	sld [smem:$0x3FB0]  }
0x29: {  	s4 =	sld [smem:$0x3FB2]  }
0x2a: {  	p0 =	seq.s32 s5, $0x0;
	s5 =	sld [smem:$0x3FB3]  }
0x2b: {  	s6 =	sld [smem:$0x3FB4]  }
0x2c: {  	s7 =	sld [smem:$0x3FB5]  }
0x2d: {  	s3 =	simm.s32 $0x108;
	s8 =	sld [smem:$0x3FB6]  }
0x2e: {  	s3 =	simm.s32 @!p0 $0x1082;
	s9 =	sld [smem:$0x3FB7]  }
0x2f: {  	lr =	sadd.s32 s0, s3;
	s0 =	sld [smem:$0x3FAE]  }
0x30: {  	s3 =	sld [smem:$0x3FB1]  }
0x31: {  	[smem:$0x3FBA] =	sst s10  }
0x32: {  	s10 =	sld [smem:$0x3FB8];
	_ =	sdelay $0x3  }
0x33: {  	p0 =	seq.s32 s10, $0x1;
	s10 =	sld [smem:$0x3FBA];
	_ =	sdelay $0x3  }
0x34: {  	[smem:$0x3FBA] =	sst s10  }
0x35: {  	s10 =	sld [smem:$0x3FB9];
	_ =	sdelay $0x3  }
0x36: {  	p1 =	seq.s32 s10, $0x1;
	s10 =	sld [smem:$0x3FBA];
	_ =	sdelay $0x3  }
0x37: {  	[smem:$0x3FBA] =	sst s10  }
0x38: {  	s10 =	sld [smem:$0x3FBB]  }
0x39: {  	_ = 	snop;
	(pc) =	sbr.ind lr, $3  }
0x3a: {  	_ = 	snop  }
0x3b: {  	_ = 	snop  }
0x3c: {  	p2 =	seq.s32 s10, $0x1;
	s10 =	sld [smem:$0x3FBA]  }
0x3d: {  	_ =	shalt  }
0x3e: {  	_ =	shalt  }
0x3f: {  	_ =	shalt  }
0x40: {  	_ =	shalt  }
0x41: {  	_ =	shalt  }
0x42: {  	_ =	shalt  }
0x43: {  	_ =	shalt  }
0x44: {  	_ =	shalt  }
0x45: {  	_ =	shalt  }
0x46: {  	_ =	shalt  }
0x47: {  	_ =	shalt  }
0x48: {  	_ =	shalt  }
0x49: {  	_ =	shalt  }
0x4a: {  	_ =	shalt  }
0x4b: {  	_ =	shalt  }
0x4c: {  	_ =	shalt  }
0x4d: {  	_ =	shalt  }
0x4e: {  	_ =	shalt  }
0x4f: {  	_ =	shalt  }
0x50: {  	_ =	shalt  }
0x51: {  	_ =	shalt  }
0x52: {  	_ =	shalt  }
0x53: {  	_ =	shalt  }
0x54: {  	_ =	shalt  }
0x55: {  	_ =	shalt  }
0x56: {  	_ =	shalt  }
0x57: {  	_ =	shalt  }
0x58: {  	_ =	shalt  }
0x59: {  	_ =	shalt  }
0x5a: {  	_ =	shalt  }
0x5b: {  	_ =	shalt  }
0x5c: {  	_ =	shalt  }
0x5d: {  	_ =	shalt  }
0x5e: {  	_ =	shalt  }
0x5f: {  	_ =	shalt  }
0x60: {  	_ =	shalt  }
0x61: {  	_ =	shalt  }
0x62: {  	_ =	shalt  }
0x63: {  	_ =	shalt  }
0x64: {  	_ =	shalt  }
0x65: {  	_ =	shalt  }
0x66: {  	_ =	shalt  }
0x67: {  	_ =	shalt  }
0x68: {  	_ =	shalt  }
0x69: {  	_ =	shalt  }
0x6a: {  	_ =	shalt  }
0x6b: {  	_ =	shalt  }
0x6c: {  	_ =	shalt  }
0x6d: {  	_ =	shalt  }
0x6e: {  	_ =	shalt  }
0x6f: {  	_ =	shalt  }
0x70: {  	_ =	shalt  }
0x71: {  	_ =	shalt  }
0x72: {  	_ =	shalt  }
0x73: {  	_ =	shalt  }
0x74: {  	_ =	shalt  }
0x75: {  	_ =	shalt  }
0x76: {  	_ =	shalt  }
0x77: {  	_ =	shalt  }
0x78: {  	_ =	shalt  }
0x79: {  	_ =	shalt  }
0x7a: {  	_ =	shalt  }
0x7b: {  	_ =	shalt  }
0x7c: {  	_ =	shalt  }
0x7d: {  	_ =	shalt  }
0x7e: {  	_ =	shalt  }
0x7f: {  	_ =	shalt  }
0x80: {  	_ =	shalt  }
0x81: {  	_ =	shalt  }
0x82: {  	_ =	shalt  }
0x83: {  	_ =	shalt  }
0x84: {  	_ =	shalt  }
0x85: {  	_ =	shalt  }
0x86: {  	_ =	shalt  }
0x87: {  	_ =	shalt  }
.Lfunc_end0:
.L_simem_size_0:
called_computation.1_lowered:
.L_overlay_start_0:
0x88: {  	s0 =	sld [smem:$0x3FD9]  }
0x89: {  	s1 =	sld [smem:$0x3FFE];
	_ =	sdelay $0x3  }
0x8a: {  	s0 =	sadd.s32 s1, s0  }
0x8b: {  	[smem:$0x3FC6] =	sst s0  }
0x8c: {  	_ = 	snop  }
0x8d: {  	s0 =	sld [smem:$0x3FD0];
	(tm) =	ssettm $0x1  }
0x8e: {  	s16 =	sld [smem:$0x3FFB];
	_ =	sdelay $0x3  }
0x8f: {  	_ =	strace s16  }
0x90: {  	s1 =	sld [smem:$0x3FFC];
	_ =	sdelay $0x3  }
0x91: {  	_ =	strace s1  }
0x92: {  	s1 =	sld [smem:$0x3FFD];
	_ =	sdelay $0x3  }
0x93: {  	_ =	strace s1  }
0x94: {  	_ =	strace $0x8FFFFFFF  }
0x95: {  	s17 =	sld [smem:$0x3FDB];
	_ =	sdelay $0x1  }
0x96: {  	s2 =	simm.s32 $_scs_section_size  }
0x97: {  	s3 =	simm.s32 $_size__tile_overlayer_lowered;
	s4 =	simm.s32 $_tile_overlayer_lowered  }
0x98: {  	s20 =	simm.s32 $0x1BFF;
	s19 =	sshll.u32 s4, $0x1;
	s1 =	sadd.s32 s2, s17  }
0x99: {  	s5 =	simm.s32 $0x0;
	s18 =	sshll.u32 s3, $0x1;
	s3 =	sadd.s32 s19, s1  }
0x9a: {  	[timem:s5], [sflag:s20] =	dma.local [hbm:s3], s18  }
0x9b: {  	_ =	swait.ge [sflag:s20], s18  }
0x9c: {  	s2 =	ssub.s32 $0x0, s18;
	[sflag:s20] =	ssyncset.done $0x0  }
0x9d: {  	[sflag:s20] =	ssyncadd.s32 s2;
	_ =	sdelay $0x1  }
0x9e: {  	s21 =	simm.s32 $0x1B8B  }
0x9f: {  	_ =	swait.ge [sflag:s21], $0x1  }
0xa0: {  	[sflag:s21] =	ssyncset.done $0x0  }
0xa1: {  	s23 =	simm.s32 $0x1B8E;
	s22 =	sld [smem:$0x3FFE];
	[sflag:s21] =	ssyncadd.s32 $0xFFFFFFFF  }
0xa2: {  	s24 =	simm.s32 $execute0_lowered;
	[smem:$0x3FD2] =	sst s23  }
0xa3: {  	s3 =	sshll.u32 s24, $0x1;
	_ =	strace $0x80000049;
	[dreg:$0x1] =	wrdreg $0xFFFFFFFF  }
0xa4: {  	s25 =	simm.s32 $_size_execute0_lowered;
	s1 =	sadd.s32 s1, s3;
	[dreg:$0x0] =	wrdreg $0x0  }
0xa5: {  	s3 =	sshll.u32 s25, $0x1;
	[dreg:$0x2] =	wrdreg s1  }
0xa6: {  	[dreg:$0x3] =	wrdreg s3  }
0xa7: {  	[dreg:$0x4] =	wrdreg $0xC0  }
0xa8: {  	_ =	task [dreg:s5], $0x5FFFF  }
0xa9: {  	[dreg:$0x1] =	wrdreg $0xFFFFFFFF  }
0xaa: {  	[dreg:$0x0] =	wrdreg $0x60  }
0xab: {  	[dreg:$0x2] =	wrdreg s22  }
0xac: {  	[dreg:$0x3] =	wrdreg s0  }
0xad: {  	[dreg:$0x4] =	wrdreg $0x9  }
0xae: {  	_ =	task.clear_ibuf [dreg:s5], $0x5FFFF;
	_ =	strace $0x90000049  }
0xaf: {  	s26 =	simm.s32 $0x9;
	_ =	strace $0x8000004B  }
0xb0: {  	_ =	swait.ge [sflag:s26], $0x1  }
0xb1: {  	[sflag:s26] =	ssyncadd.s32 $0xFFFFFFFF  }
0xb2: {  	_ =	strace $0x9000004B  }
0xb3: {  	_ =	sfence  }
0xb4: {  	s28 =	sld [smem:$0x0];
	_ =	sdelay $0x1  }
0xb5: {  	s29 =	srdreg.scid  }
0xb6: {  	s30 =	sshll.u32 s29, $0xD;
	s31 =	sshrl.u32 s29, $0x2  }
0xb7: {  	s2 =	sand.u32 $0x4000, s30;
	s1 =	sand.u32 $0x1, s29;
	s0 =	sadd.s32 s31, s28  }
0xb8: {  	s1 =	sor.u32 s2, s1;
	s0 =	sshll.u32 s0, $0x11  }
0xb9: {  	s0 =	sor.u32 s0, s1  }
0xba: {  	s0 =	sadd.s32 $0x8F2B, s0  }
0xbb: {  	[sflag:s0] =	ssyncadd.remote.s32 $0x1  }
0xbc: {  	_ =	sfence.sel $0xFFFF  }
0xbd: {  	[dreg:$0x0] =	wrdreg $0xFFFFFFFF;
	(pc) =	sbr.abs _section_cstart, $3  }
0xbe: {  	[dreg:$0x1] =	wrdreg $0xFFFFFFFF  }
0xbf: {  	_ =	task.clear_ibuf [dreg:s5], $0x2FFFF;
	_ =	strace $0x9FFFFFFF  }
0xc0: {  	(tm) =	ssettm $0x7FFFFFFF  }
0xc1: {  	_ =	shalt  }
tec
execute0_lowered:
.L_overlay_start_1:
0x0: {  	(tag) =	ssettag $0x1  }
0x1: {  	s0 =	stileid.u32  }
0x2: {  	s1 =	smin.u32 s0, $0x9  }
0x3: {  	s1 =	sadd.s32 s0, s1  }
0x4: {  	s2 =	simm.s32 $0xA0;
	p0 =	slt.u32 s0, $0x9;
	s1 =	smul.u32 $0x50, s1  }
0x5: {  	s2 =	simm.s32 @!p0 $0x50  }
0x6: {  	s2 =	sadd.s32 s2, s1  }
0x7: {  	s3 =	smin.u32 s2, $0x7D0  }
0x8: {  	s7 =	ssub.s32 s3, s1  }
0x9: {  	p0 =	sgt.s32 s7, $0x0  }
0xa: {  	s7 =	simm.s32 @!p0 $0x0  }
0xb: {  	s4 =	rddreg [dreg:$0x0];
	s31 =	smul.u32 $0xCCCD, s7  }
0xc: {  	s5 =	rddreg [dreg:$0x1]  }
0xd: {  	s6 =	simm.s32 $0x1;
	s10 =	simm.s32 $0x3;
	s8 =	sshrl.u32 s31, $0x16  }
0xe: {  	s13 =	simm.s32 $0x0;
	s12 =	simm.s32 $0x0;
	s9 =	smul.u32 $0x50, s8  }
.Ltmp0:
0xf: {  	s11 =	smov.u32 s1;
	s2 =	rddreg [dreg:$0x2];
	(pc) =	sbr.rel .LBB2_1-.Ltmp0, $4  }
0x10: {  	_ =	strace $0x8000004A;
	p0 =	sne.s32 s7, s9;
	s9 =	simm.s32 $0x1  }
0x11: {  	[sflag:s6] =	ssyncpa.u1 $0x0;
	s7 =	simm.s32 $0x2;
	s9 =	simm.s32 @!p0 $0x0  }
0x12: {  	[sflag:s7] =	ssyncpa.u1 $0x0;
	p0 =	por $0x0, $0x0;
	s8 =	sadd.s32 s8, s9  }
0x13: {  	vm0 =	vmmov $0xff;
	vm1 =	vcmask $0x3F20;
	s9 =	sadd.s32 $0x10000, s4;
	[sflag:s10] =	ssyncpa.u1 $0x0;
	s10 =	sadd.s32 $0x1, s8  }
.LBB2_6:
0x14: {  	[hbm:s17] =	stream.linear.scatter [tilespmem:s14], [sflag:$0x3], $0x400, $0x38;
	[tilespmem:$0x50A0] =	vst v63  }
.LBB2_7:
0x15: {  	s13 =	sadd.s32 $0x50, s11  }
0x16: {  	s15 =	smov.u32 s1;
	p2 =	slt.s32 s13, s3  }
0x17: {  	s15 =	smov.u32 @p2 s13;
	p2 =	sne.s32 s12, s10  }
.Ltmp1:
0x18: {  	p1 =	slt.u32 s12, $0x2;
	(pc) =	sbr.rel @!p2 .LBB2_8-.Ltmp1, $4  }
0x19: {  	s14 =	simm.s32 @!p1 $0x3  }
0x1a: {  	s16 =	sadd.s32 $0x1, s12;
	_ =	swait.ge @!p1 [sflag:s14], $0x2800  }
0x1b: {  	p0 =	por !p0, !p0;
	s13 =	smov.u32 s11;
	[sflag:s14] =	ssyncset.done @!p1 $0x0  }
0x1c: {  	s12 =	smov.u32 s16;
	s11 =	smov.u32 s15;
	[sflag:s14] =	ssyncadd.s32 @!p1 $0xFFFFD800  }
.LBB2_1:
0x1d: {  	p1 =	sge.u32 s12, s8  }
0x1e: {  	s14 =	sxor.u32 @!p1 $0xFFFFFFFF, s12  }
0x1f: {  	s14 =	sand.u32 @!p1 $0x1, s14  }
0x20: {  	s14 =	smul.u32 @!p1 $0x140, s14  }
0x21: {  	s31 =	sadd.s32 $0xFFFFFFFF, s12;
	s15 =	sshrl.u32 @!p1 s11, $0x3  }
0x22: {  	s16 =	sand.u32 @!p1 $0x7, s11;
	s15 =	sadd.s32 @!p1 s5, s15;
	s14 =	sshrl.u32 @!p1 s14, $0x2  }
0x23: {  	[tilespmem:s14], [sflag:$0x2] =	stream.linear.gather @!p1 [hbm4b:s15+s16], $0x50, $0x38;
	[tilespmem:$0x50A0] =	vst v63  }
0x24: {  	p1 =	sge.u32 s31, s8  }
.Ltmp2:
0x25: {  	_ = 	snop;
	(pc) =	sbr.rel @p1 .LBB2_7-.Ltmp2, $1  }
0x26: {  	_ =	sdelay $0x3  }
0x27: {  	s14 =	simm.s32 $0x1  }
0x28: {  	s14 =	simm.s32 @!p0 $0x0  }
0x29: {  	s15 =	smul.u32 $0x140, s14  }
0x2a: {  	_ =	swait.ge [sflag:s7], $0x50  }
0x2b: {  	[sflag:s7] =	ssyncset.done $0x0;
	s16 =	sshrl.u32 s15, $0x2  }
0x2c: {  	[sflag:s7] =	ssyncadd.s32 $0xFFFFFFB0;
	s15 =	sadd.s32 $0x0, s16  }
0x2d: {  	v0 =	vld.msk [tilespmem:s15+$0x0 ss:$0x1], $0xffff;
	_ =	sdelay $0x4  }
0x2e: {  	v1 =	vshll.u32 v0, $0x6  }
0x2f: {  	vm2 =	veq.s32 v0, $0x80000000;
	v0 =	vshll.u32 v0, $0x12;
	v1 =	vand.u32 $0x3FF80, v1  }
0x30: {  	v0 =	vand.u32 $0x40000, v0;
	v1 =	vsel vm2, $0xFFFFFF80, v1  }
0x31: {  	v0 =	vsel vm2, $0xFFFC0000, v0;
	v2 =	vand.u32 $0xFFFFFC00, v1  }
0x32: {  	v1 =	vand.u32 $0x380, v1;
	v0 =	vadd.s32 v0, v2  }
0x33: {  	v0 =	vor.u32 v1, v0  }
0x34: {  	v0 =	vshrl.u32 v0, $0x3  }
0x35: {  	s14 =	smul.u32 $0xA000, s14;
	_ =	sdelay $0x1  }
0x36: {  	s14 =	sshrl.u32 s14, $0x2  }
0x37: {  	s14 =	sor.u32 $0xA0, s14  }
0x38: {  	[tilespmem:s14], [sflag:$0x1] =	stream.indirect_vreg.gather [hbm:s4], $0x80, v0, vm0, $0x38;
	[tilespmem:$0x50A0] =	vst v63  }
0x39: {  	s17 =	sadd.s32 $0x10, s16;
	s15 =	sadd.s32 $0x400, s14  }
0x3a: {  	[tilespmem:s15], [sflag:$0x1] =	stream.indirect_vreg.gather [hbm:s4], $0x80, v0, vm1, $0x38;
	[tilespmem:$0x50A0] =	vst v63  }
0x3b: {  	s18 =	simm.s32 $0x80;
	v0 =	vld.msk [tilespmem:s17+$0x0 ss:$0x1], $0xffff;
	s17 =	smov.u32 s14  }
.LBB2_3:
0x3c: {  	p1 =	sne.s32 s18, $0x100;
	_ =	sdelay $0x4  }
0x3d: {  	v1 =	vshll.u32 v0, $0x6  }
0x3e: {  	vm2 =	veq.s32 v0, $0x80000000;
	v0 =	vshll.u32 v0, $0x12;
	v1 =	vand.u32 $0x3FF80, v1  }
0x3f: {  	v0 =	vand.u32 $0x40000, v0;
	v1 =	vsel vm2, $0xFFFFFF80, v1  }
0x40: {  	v0 =	vsel vm2, $0xFFFC0000, v0;
	v2 =	vand.u32 $0xFFFFFC00, v1  }
0x41: {  	v1 =	vand.u32 $0x380, v1;
	v0 =	vadd.s32 v0, v2  }
0x42: {  	v0 =	vor.u32 v1, v0  }
0x43: {  	v0 =	vshrl.u32 v0, $0x3;
	_ =	sdelay $0x3  }
.Ltmp3:
0x44: {  	s19 =	sshra.s32 s18, $0x2;
	s17 =	sadd.s32 $0x800, s17;
	(pc) =	sbr.rel @p1 .LBB2_3-.Ltmp3, $4  }
0x45: {  	[tilespmem:s17], [sflag:$0x1] =	stream.indirect_vreg.gather [hbm:s4], $0x80, v0, vm0, $0x38;
	[tilespmem:$0x50A0] =	vst v63  }
0x46: {  	s19 =	sadd.s32 s19, s16;
	s20 =	sadd.s32 $0x400, s17  }
0x47: {  	[tilespmem:s20], [sflag:$0x1] =	stream.indirect_vreg.gather [hbm:s4], $0x80, v0, vm1, $0x38;
	[tilespmem:$0x50A0] =	vst v63  }
0x48: {  	s18 =	sadd.s32 $0x40, s18;
	v0 =	vld.msk [tilespmem:s19+$0x0 ss:$0x1], $0xffff  }
0x49: {  	_ =	sdelay $0x3  }
0x4a: {  	v1 =	vshll.u32 v0, $0x6  }
0x4b: {  	vm2 =	veq.s32 v0, $0x80000000;
	v63 =	vshll.u32 v0, $0x12;
	v1 =	vand.u32 $0x3FF80, v1  }
0x4c: {  	v0 =	vand.u32 $0x40000, v63;
	v1 =	vsel vm2, $0xFFFFFF80, v1  }
0x4d: {  	v0 =	vsel vm2, $0xFFFC0000, v0;
	v2 =	vand.u32 $0xFFFFFC00, v1  }
0x4e: {  	v1 =	vand.u32 $0x380, v1;
	v0 =	vadd.s32 v0, v2  }
0x4f: {  	v0 =	vor.u32 v1, v0  }
0x50: {  	v0 =	vshrl.u32 v0, $0x3;
	_ =	sdelay $0x3  }
0x51: {  	s16 =	sadd.s32 $0x800, s17  }
0x52: {  	[tilespmem:s16], [sflag:$0x1] =	stream.indirect_vreg.gather [hbm:s4], $0x80, v0, vm0, $0x38;
	[tilespmem:$0x50A0] =	vst v63  }
0x53: {  	s16 =	sadd.s32 $0x400, s16  }
0x54: {  	[tilespmem:s16], [sflag:$0x1] =	stream.indirect_vreg.gather [hbm:s4], $0x80, v0, vm1, $0x38;
	[tilespmem:$0x50A0] =	vst v63  }
0x55: {  	s13 =	sshll.u32 s13, $0x4;
	_ =	swait.ge [sflag:s6], $0x2800  }
0x56: {  	s13 =	sadd.s32 s13, s9;
	[sflag:s6] =	ssyncset.done $0x0  }
0x57: {  	s17 =	sadd.s32 $0x0, s13;
	s16 =	simm.s32 $0x80;
	[sflag:s6] =	ssyncadd.s32 $0xFFFFD800  }
.LBB2_5:
0x58: {  	[hbm:s17] =	stream.linear.scatter [tilespmem:s14], [sflag:$0x3], $0x400, $0x38;
	[tilespmem:$0x50A0] =	vst v63  }
0x59: {  	s17 =	smov.u32 s16;
	s14 =	smov.u32 s15;
	p1 =	sne.s32 s16, $0x480  }
.Ltmp4:
0x5a: {  	s16 =	sadd.s32 $0x80, s16;
	(pc) =	sbr.rel @p1 .LBB2_5-.Ltmp4, $2  }
0x5b: {  	_ =	sdelay $0x2  }
0x5c: {  	s15 =	sadd.s32 $0x400, s15;
	s17 =	sadd.s32 s17, s13  }
.Ltmp5:
0x5d: {  	_ = 	snop;
	(pc) =	sbr.rel .LBB2_6-.Ltmp5, $1  }
0x5e: {  	_ =	sdelay $0x3  }
.LBB2_8:
0x5f: {  	_ =	sfence.sel $0x180000  }
0x60: {  	s1 =	simm.s32 $0x2;
	[bflag:$0x0] =	sbarrier.arrive $0xFFFF  }
0x61: {  	s30 =	simm.s32 $0x3;
	[sflag:s1] =	ssyncpa.u1 $0x1  }
0x62: {  	s31 =	simm.s32 $0x1;
	[sflag:s30] =	ssyncpa.u1 $0x1  }
0x63: {  	[sflag:s31] =	ssyncpa.u1 $0x1  }
0x64: {  	p0 =	sne.s32 s0, $0x0;
	_ =	strace $0x9000004A  }
0x65: {  	s0 =	sadd.s32 @!p0 $0x100000, s2;
	[bflag:$0x2] =	sbarrier.arrive $0xFFFF  }
0x66: {  	[sflag:s0] =	ssyncadd.tile.s32 @!p0 $0x1;
	_ =	shalt  }
.Lfunc_end2:
_tile_overlayer_lowered:
.L_overlay_start_2:
0x67: {  	(tag) =	ssettag $0x2  }
0x68: {  	s0 =	rddreg [dreg:$0x0];
	s2 =	stileid.u32  }
0x69: {  	s1 =	rddreg [dreg:$0x1];
	p0 =	sne.s32 s2, $0x0  }
0x6a: {  	s3 =	rddreg [dreg:$0x2];
	[bflag:$0x3] =	sbarrier.arrive $0xFFFF;
	s2 =	simm.s32 @!p0 $0x1C01  }
0x6b: {  	[timem:s3], [sflag:s2] =	dma.local @!p0 [hbm:s0], s1  }
0x6c: {  	s0 =	simm.s32 @!p0 $0x1  }
0x6d: {  	_ =	swait.ge @!p0 [sflag:s0], s1  }
0x6e: {  	s1 =	ssub.s32 @!p0 $0x0, s1;
	[sflag:s0] =	ssyncset.done @!p0 $0x0  }
0x6f: {  	[sflag:s0] =	ssyncadd.s32 @!p0 s1  }
0x70: {  	[bflag:$0x3] =	sbarrier.arrive $0xFFFF  }
0x71: {  	_ =	shalt  }

// kernel: gather_offload_async_start
scs
__scs_entry_jumppad:
0x0: {  	(pc) =	sbr.rel $0x88, $3  }
0x1: {  	(tag) =	ssettag $0x0;
	lr =	simm.s32 $0x1  }
0x2: {  	[smem:$0x3F9F] =	sst lr;
	_ =	strace $0xD0000000  }
0x3: {  	_ = 	snop  }
0x4: {  	_ = 	snop  }
0x5: {  	_ = 	snop  }
0x6: {  	_ = 	snop  }
0x7: {  	_ = 	snop  }
__scs_overlays_trampoline_lowered:
0x8: {  	[smem:$0x3FAE] =	sst s0  }
0x9: {  	[smem:$0x3FAF] =	sst s1  }
0xa: {  	[smem:$0x3FB0] =	sst s2  }
0xb: {  	[smem:$0x3FB1] =	sst s3  }
0xc: {  	[smem:$0x3FB2] =	sst s4  }
0xd: {  	[smem:$0x3FB3] =	sst s5  }
0xe: {  	[smem:$0x3FB4] =	sst s6  }
0xf: {  	[smem:$0x3FB5] =	sst s7  }
0x10: {  	[smem:$0x3FB6] =	sst s8  }
0x11: {  	[smem:$0x3FB7] =	sst s9;
	s0 =	simm.s32 @!p0 $0x0  }
0x12: {  	s1 =	sld [smem:$0x3F9D];
	s0 =	simm.s32 @p0 $0x1  }
0x13: {  	[smem:$0x3FB8] =	sst s0;
	s0 =	simm.s32 @!p1 $0x0  }
0x14: {  	s2 =	sld [smem:$0x3F9C];
	s0 =	simm.s32 @p1 $0x1  }
0x15: {  	[smem:$0x3FB9] =	sst s0;
	s0 =	simm.s32 @!p2 $0x0  }
0x16: {  	s3 =	sld [smem:$0x3FDB];
	s0 =	simm.s32 @p2 $0x1  }
0x17: {  	s4 =	simm.s32 $0x1BF5;
	[smem:$0x3FBB] =	sst s0  }
0x18: {  	s0 =	sld [smem:$0x3F9E];
	_ =	swait.ge [sflag:s4], $0x0  }
0x19: {  	s7 =	sld [smem:$0x3F9F]  }
0x1a: {  	s8 =	sadd.s32 $0xFFFFE003, lr  }
0x1b: {  	s9 =	sadd.s32 $0xFFFFFEF7, lr;
	s5 =	simm.s32 $0xFFFFFFFF;
	p2 =	slt.u32 s8, $0xFFFFF086  }
0x1c: {  	p1 =	slt.u32 s9, $0xF7A;
	s5 =	simm.s32 @!p2 $0x0  }
0x1d: {  	s5 =	simm.s32 @p1 $0x1;
	p0 =	seq.s32 s7, s2  }
0x1e: {  	s7 =	smul.u32 @!p0 $0xF7A, s2;
	p2 =	seq.s32 @!p0 s5, $0x0  }
0x1f: {  	s9 =	smul.u32 $0xF7A, s1;
	s8 =	simm.s32 @!p0 $0x1BF5;
	p2 =	por !p2, p0  }
0x20: {  	[sflag:s8] =	ssyncset.s32 @!p0 $0xFFFFF086;
	s6 =	sadd.s32 @!p0 s3, s7;
	s7 =	simm.s32 @!p0 $0x108  }
0x21: {  	s3 =	sadd.s32 s3, s9;
	s6 =	sadd.s32 @!p0 $0x88, s6;
	s7 =	simm.s32 @p2 $0x1082  }
0x22: {  	[simem:s7], [sflag:s8] =	dma.local @!p0 [hbm:s6], $0xF7A  }
0x23: {  	s9 =	sor.u32 $0xD0000000, s2;
	s6 =	simm.s32 $0x108;
	_ =	swait.ge @!p0 [sflag:s8], $0x0  }
0x24: {  	s3 =	sadd.s32 $0x88, s3;
	s6 =	simm.s32 @!p1 $0x1082;
	[sflag:s4] =	ssyncset.s32 $0xFFFFF086  }
0x25: {  	[simem:s6], [sflag:s4] =	dma.local [hbm:s3], $0xF7A  }
0x26: {  	[smem:$0x3F9F] =	sst s1;
	(tag) =	ssettag s2;
	_ =	strace s9  }
0x27: {  	s1 =	sld [smem:$0x3FAF]  }
0x28: {  	s2 =	sld [smem:$0x3FB0]  }
0x29: {  	s4 =	sld [smem:$0x3FB2]  }
0x2a: {  	p0 =	seq.s32 s5, $0x0;
	s5 =	sld [smem:$0x3FB3]  }
0x2b: {  	s6 =	sld [smem:$0x3FB4]  }
0x2c: {  	s7 =	sld [smem:$0x3FB5]  }
0x2d: {  	s3 =	simm.s32 $0x108;
	s8 =	sld [smem:$0x3FB6]  }
0x2e: {  	s3 =	simm.s32 @!p0 $0x1082;
	s9 =	sld [smem:$0x3FB7]  }
0x2f: {  	lr =	sadd.s32 s0, s3;
	s0 =	sld [smem:$0x3FAE]  }
0x30: {  	s3 =	sld [smem:$0x3FB1]  }
0x31: {  	[smem:$0x3FBA] =	sst s10  }
0x32: {  	s10 =	sld [smem:$0x3FB8];
	_ =	sdelay $0x3  }
0x33: {  	p0 =	seq.s32 s10, $0x1;
	s10 =	sld [smem:$0x3FBA];
	_ =	sdelay $0x3  }
0x34: {  	[smem:$0x3FBA] =	sst s10  }
0x35: {  	s10 =	sld [smem:$0x3FB9];
	_ =	sdelay $0x3  }
0x36: {  	p1 =	seq.s32 s10, $0x1;
	s10 =	sld [smem:$0x3FBA];
	_ =	sdelay $0x3  }
0x37: {  	[smem:$0x3FBA] =	sst s10  }
0x38: {  	s10 =	sld [smem:$0x3FBB]  }
0x39: {  	_ = 	snop;
	(pc) =	sbr.ind lr, $3  }
0x3a: {  	_ = 	snop  }
0x3b: {  	_ = 	snop  }
0x3c: {  	p2 =	seq.s32 s10, $0x1;
	s10 =	sld [smem:$0x3FBA]  }
0x3d: {  	_ =	shalt  }
0x3e: {  	_ =	shalt  }
0x3f: {  	_ =	shalt  }
0x40: {  	_ =	shalt  }
0x41: {  	_ =	shalt  }
0x42: {  	_ =	shalt  }
0x43: {  	_ =	shalt  }
0x44: {  	_ =	shalt  }
0x45: {  	_ =	shalt  }
0x46: {  	_ =	shalt  }
0x47: {  	_ =	shalt  }
0x48: {  	_ =	shalt  }
0x49: {  	_ =	shalt  }
0x4a: {  	_ =	shalt  }
0x4b: {  	_ =	shalt  }
0x4c: {  	_ =	shalt  }
0x4d: {  	_ =	shalt  }
0x4e: {  	_ =	shalt  }
0x4f: {  	_ =	shalt  }
0x50: {  	_ =	shalt  }
0x51: {  	_ =	shalt  }
0x52: {  	_ =	shalt  }
0x53: {  	_ =	shalt  }
0x54: {  	_ =	shalt  }
0x55: {  	_ =	shalt  }
0x56: {  	_ =	shalt  }
0x57: {  	_ =	shalt  }
0x58: {  	_ =	shalt  }
0x59: {  	_ =	shalt  }
0x5a: {  	_ =	shalt  }
0x5b: {  	_ =	shalt  }
0x5c: {  	_ =	shalt  }
0x5d: {  	_ =	shalt  }
0x5e: {  	_ =	shalt  }
0x5f: {  	_ =	shalt  }
0x60: {  	_ =	shalt  }
0x61: {  	_ =	shalt  }
0x62: {  	_ =	shalt  }
0x63: {  	_ =	shalt  }
0x64: {  	_ =	shalt  }
0x65: {  	_ =	shalt  }
0x66: {  	_ =	shalt  }
0x67: {  	_ =	shalt  }
0x68: {  	_ =	shalt  }
0x69: {  	_ =	shalt  }
0x6a: {  	_ =	shalt  }
0x6b: {  	_ =	shalt  }
0x6c: {  	_ =	shalt  }
0x6d: {  	_ =	shalt  }
0x6e: {  	_ =	shalt  }
0x6f: {  	_ =	shalt  }
0x70: {  	_ =	shalt  }
0x71: {  	_ =	shalt  }
0x72: {  	_ =	shalt  }
0x73: {  	_ =	shalt  }
0x74: {  	_ =	shalt  }
0x75: {  	_ =	shalt  }
0x76: {  	_ =	shalt  }
0x77: {  	_ =	shalt  }
0x78: {  	_ =	shalt  }
0x79: {  	_ =	shalt  }
0x7a: {  	_ =	shalt  }
0x7b: {  	_ =	shalt  }
0x7c: {  	_ =	shalt  }
0x7d: {  	_ =	shalt  }
0x7e: {  	_ =	shalt  }
0x7f: {  	_ =	shalt  }
0x80: {  	_ =	shalt  }
0x81: {  	_ =	shalt  }
0x82: {  	_ =	shalt  }
0x83: {  	_ =	shalt  }
0x84: {  	_ =	shalt  }
0x85: {  	_ =	shalt  }
0x86: {  	_ =	shalt  }
0x87: {  	_ =	shalt  }
.Lfunc_end0:
.L_simem_size_0:
called_computation_lowered:
.L_overlay_start_0:
0x88: {  	s2 =	sld [smem:$0x3FD9]  }
0x89: {  	s3 =	sld [smem:$0x3FFE];
	_ =	sdelay $0x1  }
0x8a: {  	s1 =	srdreg.scid  }
0x8b: {  	s0 =	sand.u32 $0x1, s1  }
0x8c: {  	s17 =	sshll.u32 s0, $0xA;
	s2 =	sadd.s32 s3, s2  }
0x8d: {  	s2 =	sadd.s32 s2, s17  }
0x8e: {  	[smem:$0x3FC6] =	sst s2  }
0x8f: {  	_ = 	snop  }
0x90: {  	s2 =	sld [smem:$0x3FD0];
	(tm) =	ssettm $0x1  }
0x91: {  	s18 =	sld [smem:$0x3FFB];
	_ =	sdelay $0x3  }
0x92: {  	_ =	strace s18  }
0x93: {  	s3 =	sld [smem:$0x3FFC];
	_ =	sdelay $0x3  }
0x94: {  	_ =	strace s3  }
0x95: {  	s3 =	sld [smem:$0x3FFD];
	_ =	sdelay $0x3  }
0x96: {  	_ =	strace s3  }
0x97: {  	_ =	strace $0x8FFFFFFF  }
0x98: {  	s19 =	sld [smem:$0x3FDB];
	_ =	sdelay $0x1  }
0x99: {  	s4 =	simm.s32 $_scs_section_size  }
0x9a: {  	s5 =	simm.s32 $_size__tile_overlayer_lowered;
	s6 =	simm.s32 $_tile_overlayer_lowered  }
0x9b: {  	s22 =	simm.s32 $0x1BFF;
	s21 =	sshll.u32 s6, $0x1;
	s3 =	sadd.s32 s4, s19  }
0x9c: {  	s7 =	simm.s32 $0x0;
	s20 =	sshll.u32 s5, $0x1;
	s5 =	sadd.s32 s21, s3  }
0x9d: {  	[timem:s7], [sflag:s22] =	dma.local [hbm:s5], s20  }
0x9e: {  	_ =	swait.ge [sflag:s22], s20  }
0x9f: {  	s4 =	ssub.s32 $0x0, s20;
	[sflag:s22] =	ssyncset.done $0x0  }
0xa0: {  	[sflag:s22] =	ssyncadd.s32 s4;
	_ =	sdelay $0x1  }
0xa1: {  	s23 =	simm.s32 $0x1B8B  }
0xa2: {  	_ =	swait.ge [sflag:s23], $0x1  }
0xa3: {  	[sflag:s23] =	ssyncset.done $0x0  }
0xa4: {  	s25 =	simm.s32 $0x1B8E;
	s24 =	sld [smem:$0x3FFE];
	[sflag:s23] =	ssyncadd.s32 $0xFFFFFFFF  }
0xa5: {  	s26 =	simm.s32 $execute0_lowered;
	[smem:$0x3FD2] =	sst s25  }
0xa6: {  	s5 =	sshll.u32 s26, $0x1;
	_ =	strace $0x80000046;
	[dreg:$0x1] =	wrdreg $0xFFFFFFFF  }
0xa7: {  	s28 =	simm.s32 $_size_execute0_lowered;
	s3 =	sadd.s32 s3, s5;
	[dreg:$0x0] =	wrdreg $0x0  }
0xa8: {  	s5 =	sshll.u32 s28, $0x1;
	[dreg:$0x2] =	wrdreg s3  }
0xa9: {  	[dreg:$0x3] =	wrdreg s5  }
0xaa: {  	[dreg:$0x4] =	wrdreg $0xC0  }
0xab: {  	_ =	task [dreg:s7], $0x5FFFF  }
0xac: {  	[dreg:$0x1] =	wrdreg $0xFFFFFFFF  }
0xad: {  	[dreg:$0x0] =	wrdreg $0x60  }
0xae: {  	[dreg:$0x2] =	wrdreg s24  }
0xaf: {  	[dreg:$0x3] =	wrdreg s2  }
0xb0: {  	[dreg:$0x4] =	wrdreg $0x9  }
0xb1: {  	_ =	task.clear_ibuf [dreg:s7], $0x5FFFF;
	_ =	strace $0x90000046  }
0xb2: {  	s29 =	simm.s32 $0x9;
	_ =	strace $0x80000048  }
0xb3: {  	_ =	swait.ge [sflag:s29], $0x1  }
0xb4: {  	[sflag:s29] =	ssyncadd.s32 $0xFFFFFFFF  }
0xb5: {  	_ =	strace $0x90000048  }
0xb6: {  	_ =	sfence  }
0xb7: {  	s30 =	sld [smem:$0x0];
	_ =	sdelay $0x2  }
0xb8: {  	s31 =	sshll.u32 s1, $0xD;
	s1 =	sshrl.u32 s1, $0x2  }
0xb9: {  	s3 =	sand.u32 $0x4000, s31;
	s1 =	sadd.s32 s1, s30  }
0xba: {  	s0 =	sor.u32 s3, s0;
	s1 =	sshll.u32 s1, $0x11  }
0xbb: {  	s0 =	sor.u32 s1, s0  }
0xbc: {  	s0 =	sadd.s32 $0x8F2B, s0  }
0xbd: {  	[sflag:s0] =	ssyncadd.remote.s32 $0x1  }
0xbe: {  	_ =	sfence.sel $0xFFFF  }
0xbf: {  	[dreg:$0x0] =	wrdreg $0xFFFFFFFF;
	(pc) =	sbr.abs _section_cstart, $3  }
0xc0: {  	[dreg:$0x1] =	wrdreg $0xFFFFFFFF  }
0xc1: {  	_ =	task.clear_ibuf [dreg:s7], $0x2FFFF;
	_ =	strace $0x9FFFFFFF  }
0xc2: {  	(tm) =	ssettm $0x7FFFFFFF  }
0xc3: {  	_ =	shalt  }
tec
execute0_lowered:
.L_overlay_start_1:
0x0: {  	(tag) =	ssettag $0x1  }
0x1: {  	s0 =	srdreg.scid  }
0x2: {  	s1 =	sshll.u32 s0, $0x4  }
0x3: {  	s0 =	stileid.u32;
	s1 =	sand.u32 $0x10, s1  }
0x4: {  	s2 =	sor.u32 s0, s1  }
0x5: {  	s1 =	smin.u32 s2, $0x12  }
0x6: {  	s1 =	sadd.s32 s2, s1  }
0x7: {  	p0 =	slt.u32 s2, $0x12;
	s2 =	simm.s32 $0xA0;
	s1 =	smul.u32 $0x50, s1  }
0x8: {  	s2 =	simm.s32 @!p0 $0x50  }
0x9: {  	s2 =	sadd.s32 s2, s1  }
0xa: {  	s3 =	smin.u32 s2, $0xFA0  }
0xb: {  	s7 =	ssub.s32 s3, s1  }
0xc: {  	p0 =	sgt.s32 s7, $0x0  }
0xd: {  	s7 =	simm.s32 @!p0 $0x0  }
0xe: {  	s4 =	rddreg [dreg:$0x0];
	s31 =	smul.u32 $0xCCCD, s7  }
0xf: {  	s5 =	rddreg [dreg:$0x1]  }
0x10: {  	s6 =	simm.s32 $0x1;
	s10 =	simm.s32 $0x3;
	s8 =	sshrl.u32 s31, $0x16  }
0x11: {  	s13 =	simm.s32 $0x0;
	s12 =	simm.s32 $0x0;
	s9 =	smul.u32 $0x50, s8  }
.Ltmp0:
0x12: {  	s11 =	smov.u32 s1;
	s2 =	rddreg [dreg:$0x2];
	(pc) =	sbr.rel .LBB2_1-.Ltmp0, $4  }
0x13: {  	_ =	strace $0x80000047;
	p0 =	sne.s32 s7, s9;
	s9 =	simm.s32 $0x1  }
0x14: {  	[sflag:s6] =	ssyncpa.u1 $0x0;
	s7 =	simm.s32 $0x2;
	s9 =	simm.s32 @!p0 $0x0  }
0x15: {  	[sflag:s7] =	ssyncpa.u1 $0x0;
	p0 =	por $0x0, $0x0;
	s8 =	sadd.s32 s8, s9  }
0x16: {  	v0 =	vimm.s32 $0x0;
	vm0 =	vmmov $0xff;
	vm1 =	vcmask $0x3F20;
	s9 =	sadd.s32 $0x60000, s4;
	[sflag:s10] =	ssyncpa.u1 $0x0;
	s10 =	sadd.s32 $0x1, s8  }
.LBB2_6:
0x17: {  	[hbm:s17] =	stream.linear.scatter [tilespmem:s14], [sflag:$0x3], $0x400, $0x38;
	[tilespmem:$0x50A0] =	vst v63  }
.LBB2_7:
0x18: {  	s13 =	sadd.s32 $0x50, s11  }
0x19: {  	s15 =	smov.u32 s1;
	p2 =	slt.s32 s13, s3  }
0x1a: {  	s15 =	smov.u32 @p2 s13;
	p2 =	sne.s32 s12, s10  }
.Ltmp1:
0x1b: {  	p1 =	slt.u32 s12, $0x2;
	(pc) =	sbr.rel @!p2 .LBB2_8-.Ltmp1, $4  }
0x1c: {  	s14 =	simm.s32 @!p1 $0x3  }
0x1d: {  	s16 =	sadd.s32 $0x1, s12;
	_ =	swait.ge @!p1 [sflag:s14], $0x2800  }
0x1e: {  	p0 =	por !p0, !p0;
	s13 =	smov.u32 s11;
	[sflag:s14] =	ssyncset.done @!p1 $0x0  }
0x1f: {  	s12 =	smov.u32 s16;
	s11 =	smov.u32 s15;
	[sflag:s14] =	ssyncadd.s32 @!p1 $0xFFFFD800  }
.LBB2_1:
0x20: {  	p1 =	sge.u32 s12, s8  }
0x21: {  	s14 =	sxor.u32 @!p1 $0xFFFFFFFF, s12  }
0x22: {  	s14 =	sand.u32 @!p1 $0x1, s14  }
0x23: {  	s14 =	smul.u32 @!p1 $0x140, s14  }
0x24: {  	s31 =	sadd.s32 $0xFFFFFFFF, s12;
	s15 =	sshrl.u32 @!p1 s11, $0x3  }
0x25: {  	s16 =	sand.u32 @!p1 $0x7, s11;
	s15 =	sadd.s32 @!p1 s5, s15;
	s14 =	sshrl.u32 @!p1 s14, $0x2  }
0x26: {  	[tilespmem:s14], [sflag:$0x2] =	stream.linear.gather @!p1 [hbm4b:s15+s16], $0x50, $0x38;
	[tilespmem:$0x50A0] =	vst v63  }
0x27: {  	p1 =	sge.u32 s31, s8  }
.Ltmp2:
0x28: {  	_ = 	snop;
	(pc) =	sbr.rel @p1 .LBB2_7-.Ltmp2, $1  }
0x29: {  	_ =	sdelay $0x3  }
0x2a: {  	s14 =	simm.s32 $0x1  }
0x2b: {  	s14 =	simm.s32 @!p0 $0x0  }
0x2c: {  	s15 =	smul.u32 $0x140, s14  }
0x2d: {  	_ =	swait.ge [sflag:s7], $0x50  }
0x2e: {  	[sflag:s7] =	ssyncset.done $0x0;
	s16 =	sshrl.u32 s15, $0x2  }
0x2f: {  	[sflag:s7] =	ssyncadd.s32 $0xFFFFFFB0;
	s15 =	sadd.s32 $0x0, s16  }
0x30: {  	v1 =	vld.msk [tilespmem:s15+$0x0 ss:$0x1], $0xffff;
	_ =	sdelay $0x4  }
0x31: {  	v2 =	vand.u32 $0x1, v1;
	v3 =	vshll.u32 v1, $0x6  }
0x32: {  	vm2 =	veq.s32 v1, $0x80000000;
	vm3 =	veq.s32 v2, $0x1;
	v1 =	vand.u32 $0x1FFF80, v3  }
0x33: {  	v2 =	vsel vm3, $0x180000, v0;
	v1 =	vsel vm2, $0xFFFFFF80, v1  }
0x34: {  	v2 =	vsel vm2, $0xFFE80000, v2;
	v3 =	vand.u32 $0xFFFFFC00, v1  }
0x35: {  	v1 =	vand.u32 $0x380, v1;
	v2 =	vadd.s32 v2, v3  }
0x36: {  	v1 =	vor.u32 v1, v2  }
0x37: {  	v1 =	vshrl.u32 v1, $0x3  }
0x38: {  	s14 =	smul.u32 $0xA000, s14;
	_ =	sdelay $0x1  }
0x39: {  	s14 =	sshrl.u32 s14, $0x2  }
0x3a: {  	s14 =	sor.u32 $0xA0, s14  }
0x3b: {  	[tilespmem:s14], [sflag:$0x1] =	stream.indirect_vreg.gather [hbm:s4], $0x80, v1, vm0, $0x38;
	[tilespmem:$0x50A0] =	vst v63  }
0x3c: {  	s17 =	sadd.s32 $0x10, s16;
	s15 =	sadd.s32 $0x400, s14  }
0x3d: {  	[tilespmem:s15], [sflag:$0x1] =	stream.indirect_vreg.gather [hbm:s4], $0x80, v1, vm1, $0x38;
	[tilespmem:$0x50A0] =	vst v63  }
0x3e: {  	s18 =	simm.s32 $0x80;
	v1 =	vld.msk [tilespmem:s17+$0x0 ss:$0x1], $0xffff;
	s17 =	smov.u32 s14  }
.LBB2_3:
0x3f: {  	p1 =	sne.s32 s18, $0x100;
	_ =	sdelay $0x4  }
0x40: {  	v2 =	vand.u32 $0x1, v1;
	v3 =	vshll.u32 v1, $0x6  }
0x41: {  	vm2 =	veq.s32 v1, $0x80000000;
	vm3 =	veq.s32 v2, $0x1;
	v1 =	vand.u32 $0x1FFF80, v3  }
0x42: {  	v2 =	vsel vm3, $0x180000, v0;
	v1 =	vsel vm2, $0xFFFFFF80, v1  }
0x43: {  	v2 =	vsel vm2, $0xFFE80000, v2;
	v3 =	vand.u32 $0xFFFFFC00, v1  }
0x44: {  	v1 =	vand.u32 $0x380, v1;
	v2 =	vadd.s32 v2, v3  }
0x45: {  	v1 =	vor.u32 v1, v2  }
0x46: {  	v1 =	vshrl.u32 v1, $0x3;
	_ =	sdelay $0x3  }
.Ltmp3:
0x47: {  	s19 =	sshra.s32 s18, $0x2;
	s17 =	sadd.s32 $0x800, s17;
	(pc) =	sbr.rel @p1 .LBB2_3-.Ltmp3, $4  }
0x48: {  	[tilespmem:s17], [sflag:$0x1] =	stream.indirect_vreg.gather [hbm:s4], $0x80, v1, vm0, $0x38;
	[tilespmem:$0x50A0] =	vst v63  }
0x49: {  	s19 =	sadd.s32 s19, s16;
	s20 =	sadd.s32 $0x400, s17  }
0x4a: {  	[tilespmem:s20], [sflag:$0x1] =	stream.indirect_vreg.gather [hbm:s4], $0x80, v1, vm1, $0x38;
	[tilespmem:$0x50A0] =	vst v63  }
0x4b: {  	s18 =	sadd.s32 $0x40, s18;
	v1 =	vld.msk [tilespmem:s19+$0x0 ss:$0x1], $0xffff  }
0x4c: {  	_ =	sdelay $0x3  }
0x4d: {  	v2 =	vand.u32 $0x1, v1;
	v3 =	vshll.u32 v1, $0x6  }
0x4e: {  	vm2 =	veq.s32 v1, $0x80000000;
	vm3 =	veq.s32 v2, $0x1;
	v1 =	vand.u32 $0x1FFF80, v3  }
0x4f: {  	v2 =	vsel vm3, $0x180000, v0;
	v1 =	vsel vm2, $0xFFFFFF80, v1  }
0x50: {  	v2 =	vsel vm2, $0xFFE80000, v2;
	v3 =	vand.u32 $0xFFFFFC00, v1  }
0x51: {  	v1 =	vand.u32 $0x380, v1;
	v2 =	vadd.s32 v2, v3  }
0x52: {  	v1 =	vor.u32 v1, v2  }
0x53: {  	v1 =	vshrl.u32 v1, $0x3;
	_ =	sdelay $0x3  }
0x54: {  	s16 =	sadd.s32 $0x800, s17  }
0x55: {  	[tilespmem:s16], [sflag:$0x1] =	stream.indirect_vreg.gather [hbm:s4], $0x80, v1, vm0, $0x38;
	[tilespmem:$0x50A0] =	vst v63  }
0x56: {  	s16 =	sadd.s32 $0x400, s16  }
0x57: {  	[tilespmem:s16], [sflag:$0x1] =	stream.indirect_vreg.gather [hbm:s4], $0x80, v1, vm1, $0x38;
	[tilespmem:$0x50A0] =	vst v63  }
0x58: {  	s13 =	sshll.u32 s13, $0x4;
	_ =	swait.ge [sflag:s6], $0x2800  }
0x59: {  	s13 =	sadd.s32 s13, s9;
	[sflag:s6] =	ssyncset.done $0x0  }
0x5a: {  	s17 =	sadd.s32 $0x0, s13;
	s16 =	simm.s32 $0x80;
	[sflag:s6] =	ssyncadd.s32 $0xFFFFD800  }
.LBB2_5:
0x5b: {  	[hbm:s17] =	stream.linear.scatter [tilespmem:s14], [sflag:$0x3], $0x400, $0x38;
	[tilespmem:$0x50A0] =	vst v63  }
0x5c: {  	s17 =	smov.u32 s16;
	s14 =	smov.u32 s15;
	p1 =	sne.s32 s16, $0x480  }
.Ltmp4:
0x5d: {  	s16 =	sadd.s32 $0x80, s16;
	(pc) =	sbr.rel @p1 .LBB2_5-.Ltmp4, $2  }
0x5e: {  	_ =	sdelay $0x2  }
0x5f: {  	s15 =	sadd.s32 $0x400, s15;
	s17 =	sadd.s32 s17, s13  }
.Ltmp5:
0x60: {  	_ = 	snop;
	(pc) =	sbr.rel .LBB2_6-.Ltmp5, $1  }
0x61: {  	_ =	sdelay $0x3  }
.LBB2_8:
0x62: {  	_ =	sfence.sel $0x180000  }
0x63: {  	s1 =	simm.s32 $0x2;
	[bflag:$0x0] =	sbarrier.arrive $0xFFFF  }
0x64: {  	s30 =	simm.s32 $0x3;
	[sflag:s1] =	ssyncpa.u1 $0x1  }
0x65: {  	s31 =	simm.s32 $0x1;
	[sflag:s30] =	ssyncpa.u1 $0x1  }
0x66: {  	[sflag:s31] =	ssyncpa.u1 $0x1  }
0x67: {  	p0 =	sne.s32 s0, $0x0;
	_ =	strace $0x90000047  }
0x68: {  	s0 =	sadd.s32 @!p0 $0x100000, s2;
	[bflag:$0x2] =	sbarrier.arrive $0xFFFF  }
0x69: {  	[sflag:s0] =	ssyncadd.tile.s32 @!p0 $0x1;
	_ =	shalt  }
.Lfunc_end2:
_tile_overlayer_lowered:
.L_overlay_start_2:
0x6a: {  	(tag) =	ssettag $0x2  }
0x6b: {  	s0 =	rddreg [dreg:$0x0];
	s2 =	stileid.u32  }
0x6c: {  	s1 =	rddreg [dreg:$0x1];
	p0 =	sne.s32 s2, $0x0  }
0x6d: {  	s3 =	rddreg [dreg:$0x2];
	[bflag:$0x3] =	sbarrier.arrive $0xFFFF;
	s2 =	simm.s32 @!p0 $0x1C01  }
0x6e: {  	[timem:s3], [sflag:s2] =	dma.local @!p0 [hbm:s0], s1  }
0x6f: {  	s0 =	simm.s32 @!p0 $0x1  }
0x70: {  	_ =	swait.ge @!p0 [sflag:s0], s1  }
0x71: {  	s1 =	ssub.s32 @!p0 $0x0, s1;
	[sflag:s0] =	ssyncset.done @!p0 $0x0  }
0x72: {  	[sflag:s0] =	ssyncadd.s32 @!p0 s1  }
0x73: {  	[bflag:$0x3] =	sbarrier.arrive $0xFFFF  }
0x74: {  	_ =	shalt  }

</sc_bundles>
